<compile_context>
chip_gen: v7x
topology: tpu7x:2x2x1
jax: 0.10.2.dev20260603
libtpu: 0.0.44.dev20260713+nightly
codegen_flags: <defaults>
</compile_context>

<pallas_src>
import functools

import jax
import jax.numpy as jnp
from jax import lax
from jax.experimental import pallas as pl
from jax.experimental.pallas import tpu as pltpu
from jax.experimental.pallas import tpu_sc as plsc

_VP = 128
_B = 7088
_NC, _NS = 2, 16
_NW = _NC * _NS
_C = 24
_NSC = _NW * _C


def _tc_body(xt_ref, r_ref, t_ref, o_ref):
    _, f, b = xt_ref.shape
    xt = xt_ref[0]
    riota = r_ref[...]
    parts = []
    for i in range(f):
        parts.append(
            jnp.where(xt[i][None, :] == riota, jnp.bfloat16(1), jnp.bfloat16(0))
        )
    oht = jnp.concatenate(parts, axis=0)
    o_ref[...] = jax.lax.dot_general(
        oht, t_ref[...],
        dimension_numbers=(((0,), (0,)), ((), ())),
        preferred_element_type=jnp.float32,
    )


def _sc_encode(flat_idx_wf, table_flat, s, h):
    nw, chunks_per_w, f, c = flat_idx_wf.shape
    mesh = plsc.VectorSubcoreMesh(core_axis_name="c", subcore_axis_name="s")

    @functools.partial(
        pl.kernel,
        mesh=mesh,
        out_type=jax.ShapeDtypeStruct((s, h), jnp.float32),
        scratch_types=[
            pltpu.VMEM((f, _C), jnp.int32),
            pltpu.VMEM((2, _C, 256), jnp.float32),
            pltpu.VMEM((_C, 256), jnp.float32),
            pltpu.SemaphoreType.DMA,
            pltpu.SemaphoreType.DMA,
        ],
    )
    def k(tab_hbm, idx_hbm, out_hbm, idx_v, tmp_v, acc_v, sem0, sem1):
        cid = lax.axis_index("c")
        sid = lax.axis_index("s")
        wid = sid * _NC + cid
        sems = (sem0, sem1)

        @pl.loop(0, chunks_per_w)
        def _(g):
            base = (wid * chunks_per_w + g) * _C
            pltpu.sync_copy(idx_hbm.at[wid, g], idx_v)
            pltpu.async_copy(tab_hbm.at[idx_v.at[0]], acc_v, sem0).wait()
            pltpu.async_copy(tab_hbm.at[idx_v.at[1]], tmp_v.at[0], sem0)
            for i in range(1, f):
                cur = (i - 1) % 2
                if i + 1 < f:
                    pltpu.async_copy(
                        tab_hbm.at[idx_v.at[i + 1]], tmp_v.at[i % 2],
                        sems[i % 2],
                    )
                pltpu.make_async_copy(
                    tab_hbm.at[idx_v.at[i]], tmp_v.at[cur], sems[cur]
                ).wait()

                @plsc.parallel_loop(0, _C, step=1, unroll=4)
                def _(r):
                    @plsc.parallel_loop(0, 256, step=16, unroll=4)
                    def _(c):
                        plsc.addupdate(
                            acc_v.at[r, pl.ds(c, 16)],
                            tmp_v[cur, r, pl.ds(c, 16)],
                        )

            pltpu.sync_copy(acc_v, out_hbm.at[pl.ds(base, _C)])

    return k(table_flat, flat_idx_wf)


def kernel(x, tables):
    if x.ndim == 1:
        x = x[:, None]
    n, f = x.shape
    nf, v, h = tables.shape
    n_tc = n - _NSC
    nb = n_tc // _B

    xsc = x[n_tc:].astype(jnp.int32)
    flat = xsc + (jnp.arange(f, dtype=jnp.int32) * v)[None, :]
    flat_wf = flat.reshape(_NW, _NSC // (_NW * _C), _C, f).transpose(0, 1, 3, 2)
    out_sc = _sc_encode(flat_wf, tables.reshape(nf * v, h), _NSC, h)

    xt = x[:n_tc].T.astype(jnp.bfloat16).reshape(f, nb, _B).transpose(1, 0, 2)
    riota = jnp.broadcast_to(
        jnp.arange(_VP, dtype=jnp.bfloat16)[:, None], (_VP, _B))
    tp = jnp.pad(tables, ((0, 0), (0, _VP - v), (0, 0)))
    tp = tp.astype(jnp.bfloat16).reshape(f * _VP, h)
    out_tc = pl.pallas_call(
        _tc_body,
        grid=(nb,),
        in_specs=[
            pl.BlockSpec((1, f, _B), lambda i: (i, 0, 0)),
            pl.BlockSpec((_VP, _B), lambda i: (0, 0)),
            pl.BlockSpec((f * _VP, h), lambda i: (0, 0)),
        ],
        out_specs=pl.BlockSpec((_B, h), lambda i: (i, 0)),
        out_shape=jax.ShapeDtypeStruct((n, h), jnp.float32),
    )(xt, riota, tp)

    return jax.lax.dynamic_update_slice(out_tc, out_sc, (n_tc, 0))

# --- scband reference (transcript-rebuilt; emitter-appended) ---
"""Pipeline reference for scband-atom-encoder-8151847928160 (READ-ONLY COPY).

The authoritative reference and input builder live on the scoring server;
editing this copy changes nothing except your own understanding.
"""

import jax, jax.numpy as jnp
import numpy as np

N = 100000
H = 256
NUM_FEATS = 9
VOCAB = 100

def setup_inputs(seed: int = 0) -> dict:
    key = jax.random.key(seed)
    k1, k2 = jax.random.split(key)
    x = jax.random.randint(k1, (N, NUM_FEATS), 0, VOCAB, dtype=jnp.int64)
    # 9 embedding tables, stacked: [9, 100, H]
    tables = jax.random.normal(k2, (NUM_FEATS, VOCAB, H), dtype=jnp.float32)
    return {"x": x, "tables": tables}

def reference(x, tables):
    # Faithful translation of AtomEncoder.forward
    if x.ndim == 1:
        x = x[:, None]
    out = jnp.zeros((x.shape[0], tables.shape[-1]), dtype=tables.dtype)
    for i in range(x.shape[1]):
        out = out + jnp.take(tables[i], x[:, i], axis=0)
    return out

if __name__ == "__main__":
    import jax
    _d = setup_inputs()
    print(jax.jit(kernel)(*tuple(_d.values())))

</pallas_src>

<mosaic_0001>
#map = affine_map<(d0, d1) -> (0, 0)>
#map1 = affine_map<(d0, d1) -> (0, 0, 0, 0)>
module attributes {stable_mosaic.version = 14 : i64} {
  func.func @k(%arg0: i32, %arg1: i32, %arg2: memref<900x256xf32, #tpu.memory_space<hbm>>, %arg3: memref<32x1x9x24xi32, #tpu.memory_space<hbm>>, %arg4: memref<768x256xf32, #tpu.memory_space<hbm>>, %arg5: memref<9x24xi32, #tpu.memory_space<vmem>>, %arg6: memref<2x24x256xf32, #tpu.memory_space<vmem>>, %arg7: memref<24x256xf32, #tpu.memory_space<vmem>>, %arg8: memref<!tpu.dma_semaphore, #tpu.memory_space<semaphore_mem>>, %arg9: memref<!tpu.dma_semaphore, #tpu.memory_space<semaphore_mem>>) attributes {dimension_semantics = [#tpu.dimension_semantics<core_parallel>, #tpu.dimension_semantics<subcore_parallel>], iteration_bounds = array<i64: 2, 16>, scalar_prefetch = 0 : i64, scratch_operands = 5 : i64, tpu.core_type = #tpu.core_type<sc_vector_subcore>, window_params = [{transform_indices = #map}, {transform_indices = #map1}, {transform_indices = #map}]} {
    %mul3A = arith.constant 2 : i32
    %mul3A_0 = arith.muli %arg1, %mul3A : i32
    %add3A = arith.addi %mul3A_0, %arg0 : i32
    %scan3A = arith.constant 0 : i32
    %mul3A_1 = arith.constant 1 : i32
    %mul3A_2 = arith.muli %scan3A, %mul3A_1 : i32
    %add3A_3 = arith.constant 0 : i32
    %add3A_4 = arith.addi %add3A_3, %mul3A_2 : i32
    %mul3A_5 = arith.constant 1 : i32
    %mul3A_6 = arith.muli %add3A, %mul3A_5 : i32
    %add3A_7 = arith.addi %mul3A_6, %add3A_4 : i32
    %mul3A_8 = arith.constant 24 : i32
    %mul3A_9 = arith.muli %add3A_7, %mul3A_8 : i32
    "tpu.region"() ({
      %run_scoped3A = tpu.sem_alloc : memref<!tpu.dma_semaphore, #tpu.memory_space<semaphore_mem>>
      %dma_start3A_238 = arith.constant 0 : i32
      %dma_start3A_239 = arith.constant 0 : i32
      %dma_start3A_240 = tpu.memref_slice %arg3[%add3A, %add3A_4, %dma_start3A_238, %dma_start3A_239] : memref<32x1x9x24xi32, #tpu.memory_space<hbm>> -> memref<1x1x9x24xi32, #tpu.memory_space<hbm>>
      %dma_start3A_241 = tpu.memref_squeeze %dma_start3A_240 : memref<1x1x9x24xi32, #tpu.memory_space<hbm>> -> memref<9x24xi32, #tpu.memory_space<hbm>>
      %dma_start3A_242 = arith.constant 0 : i32
      %dma_start3A_243 = arith.constant 0 : i32
      %dma_start3A_244 = tpu.memref_slice %arg3[%add3A, %add3A_4, %dma_start3A_242, %dma_start3A_243] : memref<32x1x9x24xi32, #tpu.memory_space<hbm>> -> memref<1x1x9x24xi32, #tpu.memory_space<hbm>>
      %dma_start3A_245 = tpu.memref_squeeze %dma_start3A_244 : memref<1x1x9x24xi32, #tpu.memory_space<hbm>> -> memref<9x24xi32, #tpu.memory_space<hbm>>
      tpu.enqueue_dma source(%dma_start3A_245 : memref<9x24xi32, #tpu.memory_space<hbm>>) target(%arg5 : memref<9x24xi32, #tpu.memory_space<vmem>>) target_semaphore(%run_scoped3A : memref<!tpu.dma_semaphore, #tpu.memory_space<semaphore_mem>>)
      %dma_wait3A_246 = arith.constant 0 : i32
      %dma_wait3A_247 = arith.constant 0 : i32
      %dma_wait3A_248 = tpu.memref_slice %arg3[%add3A, %add3A_4, %dma_wait3A_246, %dma_wait3A_247] : memref<32x1x9x24xi32, #tpu.memory_space<hbm>> -> memref<1x1x9x24xi32, #tpu.memory_space<hbm>>
      %dma_wait3A_249 = tpu.memref_squeeze %dma_wait3A_248 : memref<1x1x9x24xi32, #tpu.memory_space<hbm>> -> memref<9x24xi32, #tpu.memory_space<hbm>>
      %dma_wait3A_250 = arith.constant 0 : i32
      %dma_wait3A_251 = arith.constant 0 : i32
      %dma_wait3A_252 = tpu.memref_slice %arg3[%add3A, %add3A_4, %dma_wait3A_250, %dma_wait3A_251] : memref<32x1x9x24xi32, #tpu.memory_space<hbm>> -> memref<1x1x9x24xi32, #tpu.memory_space<hbm>>
      %dma_wait3A_253 = tpu.memref_squeeze %dma_wait3A_252 : memref<1x1x9x24xi32, #tpu.memory_space<hbm>> -> memref<9x24xi32, #tpu.memory_space<hbm>>
      tpu.wait_dma2 semaphore(%run_scoped3A : memref<!tpu.dma_semaphore, #tpu.memory_space<semaphore_mem>>) src(%dma_wait3A_253 : memref<9x24xi32, #tpu.memory_space<hbm>>) dst(%arg5 : memref<9x24xi32, #tpu.memory_space<vmem>>)
      tpu.yield
    }) : () -> ()
    %dma_start3A = arith.constant 0 : i32
    %dma_start3A_10 = arith.constant 0 : i32
    %dma_start3A_11 = tpu.memref_slice %arg5[%dma_start3A, %dma_start3A_10] : memref<9x24xi32, #tpu.memory_space<vmem>> -> memref<1x24xi32, #tpu.memory_space<vmem>>
    %dma_start3A_12 = tpu.memref_squeeze %dma_start3A_11 : memref<1x24xi32, #tpu.memory_space<vmem>> -> memref<24xi32, #tpu.memory_space<vmem>>
    %dma_start3A_13 = arith.constant 0 : i32
    %dma_start3A_14 = arith.constant 0 : i32
    %dma_start3A_15 = tpu.memref_slice %arg2[%dma_start3A_13, %dma_start3A_14] : memref<900x256xf32, #tpu.memory_space<hbm>> -> memref<900x256xf32, #tpu.memory_space<hbm>>
    tpu.enqueue_indirect_dma source(%dma_start3A_15 : memref<900x256xf32, #tpu.memory_space<hbm>>) target(%arg7 : memref<24x256xf32, #tpu.memory_space<vmem>>) offsets(%dma_start3A_12 : memref<24xi32, #tpu.memory_space<vmem>>) semaphore(%arg8 : memref<!tpu.dma_semaphore, #tpu.memory_space<semaphore_mem>>)
    %dma_wait3A = arith.constant 0 : i32
    %dma_wait3A_16 = arith.constant 0 : i32
    %dma_wait3A_17 = tpu.memref_slice %arg5[%dma_wait3A, %dma_wait3A_16] : memref<9x24xi32, #tpu.memory_space<vmem>> -> memref<1x24xi32, #tpu.memory_space<vmem>>
    %dma_wait3A_18 = tpu.memref_squeeze %dma_wait3A_17 : memref<1x24xi32, #tpu.memory_space<vmem>> -> memref<24xi32, #tpu.memory_space<vmem>>
    %dma_wait3A_19 = arith.constant 0 : i32
    %dma_wait3A_20 = arith.constant 0 : i32
    %dma_wait3A_21 = tpu.memref_slice %arg2[%dma_wait3A_19, %dma_wait3A_20] : memref<900x256xf32, #tpu.memory_space<hbm>> -> memref<900x256xf32, #tpu.memory_space<hbm>>
    tpu.wait_indirect_dma semaphore(%arg8 : memref<!tpu.dma_semaphore, #tpu.memory_space<semaphore_mem>>) src(%dma_wait3A_21 : memref<900x256xf32, #tpu.memory_space<hbm>>) dst(%arg7 : memref<24x256xf32, #tpu.memory_space<vmem>>)
    %dma_start3A_22 = arith.constant 1 : i32
    %dma_start3A_23 = arith.constant 0 : i32
    %dma_start3A_24 = arith.constant 0 : i32
    %dma_start3A_25 = arith.constant 0 : i32
    %dma_start3A_26 = tpu.memref_slice %arg6[%dma_start3A_23, %dma_start3A_24, %dma_start3A_25] : memref<2x24x256xf32, #tpu.memory_space<vmem>> -> memref<1x24x256xf32, #tpu.memory_space<vmem>>
    %dma_start3A_27 = tpu.memref_squeeze %dma_start3A_26 : memref<1x24x256xf32, #tpu.memory_space<vmem>> -> memref<24x256xf32, #tpu.memory_space<vmem>>
    %dma_start3A_28 = arith.constant 0 : i32
    %dma_start3A_29 = tpu.memref_slice %arg5[%dma_start3A_22, %dma_start3A_28] : memref<9x24xi32, #tpu.memory_space<vmem>> -> memref<1x24xi32, #tpu.memory_space<vmem>>
    %dma_start3A_30 = tpu.memref_squeeze %dma_start3A_29 : memref<1x24xi32, #tpu.memory_space<vmem>> -> memref<24xi32, #tpu.memory_space<vmem>>
    %dma_start3A_31 = arith.constant 0 : i32
    %dma_start3A_32 = arith.constant 0 : i32
    %dma_start3A_33 = tpu.memref_slice %arg2[%dma_start3A_31, %dma_start3A_32] : memref<900x256xf32, #tpu.memory_space<hbm>> -> memref<900x256xf32, #tpu.memory_space<hbm>>
    tpu.enqueue_indirect_dma source(%dma_start3A_33 : memref<900x256xf32, #tpu.memory_space<hbm>>) target(%dma_start3A_27 : memref<24x256xf32, #tpu.memory_space<vmem>>) offsets(%dma_start3A_30 : memref<24xi32, #tpu.memory_space<vmem>>) semaphore(%arg8 : memref<!tpu.dma_semaphore, #tpu.memory_space<semaphore_mem>>)
    %dma_start3A_34 = arith.constant 2 : i32
    %dma_start3A_35 = arith.constant 1 : i32
    %dma_start3A_36 = arith.constant 0 : i32
    %dma_start3A_37 = arith.constant 0 : i32
    %dma_start3A_38 = tpu.memref_slice %arg6[%dma_start3A_35, %dma_start3A_36, %dma_start3A_37] : memref<2x24x256xf32, #tpu.memory_space<vmem>> -> memref<1x24x256xf32, #tpu.memory_space<vmem>>
    %dma_start3A_39 = tpu.memref_squeeze %dma_start3A_38 : memref<1x24x256xf32, #tpu.memory_space<vmem>> -> memref<24x256xf32, #tpu.memory_space<vmem>>
    %dma_start3A_40 = arith.constant 0 : i32
    %dma_start3A_41 = tpu.memref_slice %arg5[%dma_start3A_34, %dma_start3A_40] : memref<9x24xi32, #tpu.memory_space<vmem>> -> memref<1x24xi32, #tpu.memory_space<vmem>>
    %dma_start3A_42 = tpu.memref_squeeze %dma_start3A_41 : memref<1x24xi32, #tpu.memory_space<vmem>> -> memref<24xi32, #tpu.memory_space<vmem>>
    %dma_start3A_43 = arith.constant 0 : i32
    %dma_start3A_44 = arith.constant 0 : i32
    %dma_start3A_45 = tpu.memref_slice %arg2[%dma_start3A_43, %dma_start3A_44] : memref<900x256xf32, #tpu.memory_space<hbm>> -> memref<900x256xf32, #tpu.memory_space<hbm>>
    tpu.enqueue_indirect_dma source(%dma_start3A_45 : memref<900x256xf32, #tpu.memory_space<hbm>>) target(%dma_start3A_39 : memref<24x256xf32, #tpu.memory_space<vmem>>) offsets(%dma_start3A_42 : memref<24xi32, #tpu.memory_space<vmem>>) semaphore(%arg9 : memref<!tpu.dma_semaphore, #tpu.memory_space<semaphore_mem>>)
    %dma_wait3A_46 = arith.constant 1 : i32
    %dma_wait3A_47 = arith.constant 0 : i32
    %dma_wait3A_48 = arith.constant 0 : i32
    %dma_wait3A_49 = arith.constant 0 : i32
    %dma_wait3A_50 = tpu.memref_slice %arg6[%dma_wait3A_47, %dma_wait3A_48, %dma_wait3A_49] : memref<2x24x256xf32, #tpu.memory_space<vmem>> -> memref<1x24x256xf32, #tpu.memory_space<vmem>>
    %dma_wait3A_51 = tpu.memref_squeeze %dma_wait3A_50 : memref<1x24x256xf32, #tpu.memory_space<vmem>> -> memref<24x256xf32, #tpu.memory_space<vmem>>
    %dma_wait3A_52 = arith.constant 0 : i32
    %dma_wait3A_53 = tpu.memref_slice %arg5[%dma_wait3A_46, %dma_wait3A_52] : memref<9x24xi32, #tpu.memory_space<vmem>> -> memref<1x24xi32, #tpu.memory_space<vmem>>
    %dma_wait3A_54 = tpu.memref_squeeze %dma_wait3A_53 : memref<1x24xi32, #tpu.memory_space<vmem>> -> memref<24xi32, #tpu.memory_space<vmem>>
    %dma_wait3A_55 = arith.constant 0 : i32
    %dma_wait3A_56 = arith.constant 0 : i32
    %dma_wait3A_57 = tpu.memref_slice %arg2[%dma_wait3A_55, %dma_wait3A_56] : memref<900x256xf32, #tpu.memory_space<hbm>> -> memref<900x256xf32, #tpu.memory_space<hbm>>
    tpu.wait_indirect_dma semaphore(%arg8 : memref<!tpu.dma_semaphore, #tpu.memory_space<semaphore_mem>>) src(%dma_wait3A_57 : memref<900x256xf32, #tpu.memory_space<hbm>>) dst(%dma_wait3A_51 : memref<24x256xf32, #tpu.memory_space<vmem>>)
    %parallel_loop3A = arith.constant 0 : i32
    %parallel_loop3A_58 = arith.constant 24 : i32
    %parallel_loop3A_59 = arith.constant 1 : i32
    scf.for %parallel_loop3A_238 = %parallel_loop3A to %parallel_loop3A_58 step %parallel_loop3A_59  : i32 {
      %parallel_loop3A_239 = arith.constant 0 : i32
      %parallel_loop3A_240 = arith.constant 256 : i32
      %parallel_loop3A_241 = arith.constant 16 : i32
      scf.for %parallel_loop3A_242 = %parallel_loop3A_239 to %parallel_loop3A_240 step %parallel_loop3A_241  : i32 {
        %parallel_loop3A_243 = arith.constant 0 : i32
        %parallel_loop3A_244 = arith.index_cast %parallel_loop3A_243 : i32 to index
        %parallel_loop3A_245 = arith.index_cast %parallel_loop3A_238 : i32 to index
        %parallel_loop3A_246 = arith.index_cast %parallel_loop3A_242 : i32 to index
        %parallel_loop3A_247 = tpu.vector_load %arg6[%parallel_loop3A_244, %parallel_loop3A_245, %parallel_loop3A_246] {strides = array<i32>} : memref<2x24x256xf32, #tpu.memory_space<vmem>>, vector<1x1x16xf32>,
        %parallel_loop3A_248 = vector.shape_cast %parallel_loop3A_247 : vector<1x1x16xf32> to vector<16xf32>
        %parallel_loop3A_249 = arith.index_cast %parallel_loop3A_238 : i32 to index
        %parallel_loop3A_250 = arith.index_cast %parallel_loop3A_242 : i32 to index
        %parallel_loop3A_251 = tpu.vector_load %arg7[%parallel_loop3A_249, %parallel_loop3A_250] {strides = array<i32>} : memref<24x256xf32, #tpu.memory_space<vmem>>, vector<1x16xf32>,
        %parallel_loop3A_252 = vector.shape_cast %parallel_loop3A_251 : vector<1x16xf32> to vector<16xf32>
        %parallel_loop3A_253 = vector.shape_cast %parallel_loop3A_248 : vector<16xf32> to vector<1x16xf32>
        tpu.vector_store %arg7[%parallel_loop3A_249, %parallel_loop3A_250], %parallel_loop3A_253 {add = true, strides = array<i32>} : memref<24x256xf32, #tpu.memory_space<vmem>>, vector<1x16xf32>,
      } {sc.loop_unroll_factor = 4 : i64, sc.parallel_access}
    } {sc.loop_unroll_factor = 4 : i64, sc.parallel_access}
    %dma_start3A_60 = arith.constant 3 : i32
    %dma_start3A_61 = arith.constant 0 : i32
    %dma_start3A_62 = arith.constant 0 : i32
    %dma_start3A_63 = arith.constant 0 : i32
    %dma_start3A_64 = tpu.memref_slice %arg6[%dma_start3A_61, %dma_start3A_62, %dma_start3A_63] : memref<2x24x256xf32, #tpu.memory_space<vmem>> -> memref<1x24x256xf32, #tpu.memory_space<vmem>>
    %dma_start3A_65 = tpu.memref_squeeze %dma_start3A_64 : memref<1x24x256xf32, #tpu.memory_space<vmem>> -> memref<24x256xf32, #tpu.memory_space<vmem>>
    %dma_start3A_66 = arith.constant 0 : i32
    %dma_start3A_67 = tpu.memref_slice %arg5[%dma_start3A_60, %dma_start3A_66] : memref<9x24xi32, #tpu.memory_space<vmem>> -> memref<1x24xi32, #tpu.memory_space<vmem>>
    %dma_start3A_68 = tpu.memref_squeeze %dma_start3A_67 : memref<1x24xi32, #tpu.memory_space<vmem>> -> memref<24xi32, #tpu.memory_space<vmem>>
    %dma_start3A_69 = arith.constant 0 : i32
    %dma_start3A_70 = arith.constant 0 : i32
    %dma_start3A_71 = tpu.memref_slice %arg2[%dma_start3A_69, %dma_start3A_70] : memref<900x256xf32, #tpu.memory_space<hbm>> -> memref<900x256xf32, #tpu.memory_space<hbm>>
    tpu.enqueue_indirect_dma source(%dma_start3A_71 : memref<900x256xf32, #tpu.memory_space<hbm>>) target(%dma_start3A_65 : memref<24x256xf32, #tpu.memory_space<vmem>>) offsets(%dma_start3A_68 : memref<24xi32, #tpu.memory_space<vmem>>) semaphore(%arg8 : memref<!tpu.dma_semaphore, #tpu.memory_space<semaphore_mem>>)
    %dma_wait3A_72 = arith.constant 2 : i32
    %dma_wait3A_73 = arith.constant 1 : i32
    %dma_wait3A_74 = arith.constant 0 : i32
    %dma_wait3A_75 = arith.constant 0 : i32
    %dma_wait3A_76 = tpu.memref_slice %arg6[%dma_wait3A_73, %dma_wait3A_74, %dma_wait3A_75] : memref<2x24x256xf32, #tpu.memory_space<vmem>> -> memref<1x24x256xf32, #tpu.memory_space<vmem>>
    %dma_wait3A_77 = tpu.memref_squeeze %dma_wait3A_76 : memref<1x24x256xf32, #tpu.memory_space<vmem>> -> memref<24x256xf32, #tpu.memory_space<vmem>>
    %dma_wait3A_78 = arith.constant 0 : i32
    %dma_wait3A_79 = tpu.memref_slice %arg5[%dma_wait3A_72, %dma_wait3A_78] : memref<9x24xi32, #tpu.memory_space<vmem>> -> memref<1x24xi32, #tpu.memory_space<vmem>>
    %dma_wait3A_80 = tpu.memref_squeeze %dma_wait3A_79 : memref<1x24xi32, #tpu.memory_space<vmem>> -> memref<24xi32, #tpu.memory_space<vmem>>
    %dma_wait3A_81 = arith.constant 0 : i32
    %dma_wait3A_82 = arith.constant 0 : i32
    %dma_wait3A_83 = tpu.memref_slice %arg2[%dma_wait3A_81, %dma_wait3A_82] : memref<900x256xf32, #tpu.memory_space<hbm>> -> memref<900x256xf32, #tpu.memory_space<hbm>>
    tpu.wait_indirect_dma semaphore(%arg9 : memref<!tpu.dma_semaphore, #tpu.memory_space<semaphore_mem>>) src(%dma_wait3A_83 : memref<900x256xf32, #tpu.memory_space<hbm>>) dst(%dma_wait3A_77 : memref<24x256xf32, #tpu.memory_space<vmem>>)
    %parallel_loop3A_84 = arith.constant 0 : i32
    %parallel_loop3A_85 = arith.constant 24 : i32
    %parallel_loop3A_86 = arith.constant 1 : i32
    scf.for %parallel_loop3A_238 = %parallel_loop3A_84 to %parallel_loop3A_85 step %parallel_loop3A_86  : i32 {
      %parallel_loop3A_239 = arith.constant 0 : i32
      %parallel_loop3A_240 = arith.constant 256 : i32
      %parallel_loop3A_241 = arith.constant 16 : i32
      scf.for %parallel_loop3A_242 = %parallel_loop3A_239 to %parallel_loop3A_240 step %parallel_loop3A_241  : i32 {
        %parallel_loop3A_243 = arith.constant 1 : i32
        %parallel_loop3A_244 = arith.index_cast %parallel_loop3A_243 : i32 to index
        %parallel_loop3A_245 = arith.index_cast %parallel_loop3A_238 : i32 to index
        %parallel_loop3A_246 = arith.index_cast %parallel_loop3A_242 : i32 to index
        %parallel_loop3A_247 = tpu.vector_load %arg6[%parallel_loop3A_244, %parallel_loop3A_245, %parallel_loop3A_246] {strides = array<i32>} : memref<2x24x256xf32, #tpu.memory_space<vmem>>, vector<1x1x16xf32>,
        %parallel_loop3A_248 = vector.shape_cast %parallel_loop3A_247 : vector<1x1x16xf32> to vector<16xf32>
        %parallel_loop3A_249 = arith.index_cast %parallel_loop3A_238 : i32 to index
        %parallel_loop3A_250 = arith.index_cast %parallel_loop3A_242 : i32 to index
        %parallel_loop3A_251 = tpu.vector_load %arg7[%parallel_loop3A_249, %parallel_loop3A_250] {strides = array<i32>} : memref<24x256xf32, #tpu.memory_space<vmem>>, vector<1x16xf32>,
        %parallel_loop3A_252 = vector.shape_cast %parallel_loop3A_251 : vector<1x16xf32> to vector<16xf32>
        %parallel_loop3A_253 = vector.shape_cast %parallel_loop3A_248 : vector<16xf32> to vector<1x16xf32>
        tpu.vector_store %arg7[%parallel_loop3A_249, %parallel_loop3A_250], %parallel_loop3A_253 {add = true, strides = array<i32>} : memref<24x256xf32, #tpu.memory_space<vmem>>, vector<1x16xf32>,
      } {sc.loop_unroll_factor = 4 : i64, sc.parallel_access}
    } {sc.loop_unroll_factor = 4 : i64, sc.parallel_access}
    %dma_start3A_87 = arith.constant 4 : i32
    %dma_start3A_88 = arith.constant 1 : i32
    %dma_start3A_89 = arith.constant 0 : i32
    %dma_start3A_90 = arith.constant 0 : i32
    %dma_start3A_91 = tpu.memref_slice %arg6[%dma_start3A_88, %dma_start3A_89, %dma_start3A_90] : memref<2x24x256xf32, #tpu.memory_space<vmem>> -> memref<1x24x256xf32, #tpu.memory_space<vmem>>
    %dma_start3A_92 = tpu.memref_squeeze %dma_start3A_91 : memref<1x24x256xf32, #tpu.memory_space<vmem>> -> memref<24x256xf32, #tpu.memory_space<vmem>>
    %dma_start3A_93 = arith.constant 0 : i32
    %dma_start3A_94 = tpu.memref_slice %arg5[%dma_start3A_87, %dma_start3A_93] : memref<9x24xi32, #tpu.memory_space<vmem>> -> memref<1x24xi32, #tpu.memory_space<vmem>>
    %dma_start3A_95 = tpu.memref_squeeze %dma_start3A_94 : memref<1x24xi32, #tpu.memory_space<vmem>> -> memref<24xi32, #tpu.memory_space<vmem>>
    %dma_start3A_96 = arith.constant 0 : i32
    %dma_start3A_97 = arith.constant 0 : i32
    %dma_start3A_98 = tpu.memref_slice %arg2[%dma_start3A_96, %dma_start3A_97] : memref<900x256xf32, #tpu.memory_space<hbm>> -> memref<900x256xf32, #tpu.memory_space<hbm>>
    tpu.enqueue_indirect_dma source(%dma_start3A_98 : memref<900x256xf32, #tpu.memory_space<hbm>>) target(%dma_start3A_92 : memref<24x256xf32, #tpu.memory_space<vmem>>) offsets(%dma_start3A_95 : memref<24xi32, #tpu.memory_space<vmem>>) semaphore(%arg9 : memref<!tpu.dma_semaphore, #tpu.memory_space<semaphore_mem>>)
    %dma_wait3A_99 = arith.constant 3 : i32
    %dma_wait3A_100 = arith.constant 0 : i32
    %dma_wait3A_101 = arith.constant 0 : i32
    %dma_wait3A_102 = arith.constant 0 : i32
    %dma_wait3A_103 = tpu.memref_slice %arg6[%dma_wait3A_100, %dma_wait3A_101, %dma_wait3A_102] : memref<2x24x256xf32, #tpu.memory_space<vmem>> -> memref<1x24x256xf32, #tpu.memory_space<vmem>>
    %dma_wait3A_104 = tpu.memref_squeeze %dma_wait3A_103 : memref<1x24x256xf32, #tpu.memory_space<vmem>> -> memref<24x256xf32, #tpu.memory_space<vmem>>
    %dma_wait3A_105 = arith.constant 0 : i32
    %dma_wait3A_106 = tpu.memref_slice %arg5[%dma_wait3A_99, %dma_wait3A_105] : memref<9x24xi32, #tpu.memory_space<vmem>> -> memref<1x24xi32, #tpu.memory_space<vmem>>
    %dma_wait3A_107 = tpu.memref_squeeze %dma_wait3A_106 : memref<1x24xi32, #tpu.memory_space<vmem>> -> memref<24xi32, #tpu.memory_space<vmem>>
    %dma_wait3A_108 = arith.constant 0 : i32
    %dma_wait3A_109 = arith.constant 0 : i32
    %dma_wait3A_110 = tpu.memref_slice %arg2[%dma_wait3A_108, %dma_wait3A_109] : memref<900x256xf32, #tpu.memory_space<hbm>> -> memref<900x256xf32, #tpu.memory_space<hbm>>
    tpu.wait_indirect_dma semaphore(%arg8 : memref<!tpu.dma_semaphore, #tpu.memory_space<semaphore_mem>>) src(%dma_wait3A_110 : memref<900x256xf32, #tpu.memory_space<hbm>>) dst(%dma_wait3A_104 : memref<24x256xf32, #tpu.memory_space<vmem>>)
    %parallel_loop3A_111 = arith.constant 0 : i32
    %parallel_loop3A_112 = arith.constant 24 : i32
    %parallel_loop3A_113 = arith.constant 1 : i32
    scf.for %parallel_loop3A_238 = %parallel_loop3A_111 to %parallel_loop3A_112 step %parallel_loop3A_113  : i32 {
      %parallel_loop3A_239 = arith.constant 0 : i32
      %parallel_loop3A_240 = arith.constant 256 : i32
      %parallel_loop3A_241 = arith.constant 16 : i32
      scf.for %parallel_loop3A_242 = %parallel_loop3A_239 to %parallel_loop3A_240 step %parallel_loop3A_241  : i32 {
        %parallel_loop3A_243 = arith.constant 0 : i32
        %parallel_loop3A_244 = arith.index_cast %parallel_loop3A_243 : i32 to index
        %parallel_loop3A_245 = arith.index_cast %parallel_loop3A_238 : i32 to index
        %parallel_loop3A_246 = arith.index_cast %parallel_loop3A_242 : i32 to index
        %parallel_loop3A_247 = tpu.vector_load %arg6[%parallel_loop3A_244, %parallel_loop3A_245, %parallel_loop3A_246] {strides = array<i32>} : memref<2x24x256xf32, #tpu.memory_space<vmem>>, vector<1x1x16xf32>,
        %parallel_loop3A_248 = vector.shape_cast %parallel_loop3A_247 : vector<1x1x16xf32> to vector<16xf32>
        %parallel_loop3A_249 = arith.index_cast %parallel_loop3A_238 : i32 to index
        %parallel_loop3A_250 = arith.index_cast %parallel_loop3A_242 : i32 to index
        %parallel_loop3A_251 = tpu.vector_load %arg7[%parallel_loop3A_249, %parallel_loop3A_250] {strides = array<i32>} : memref<24x256xf32, #tpu.memory_space<vmem>>, vector<1x16xf32>,
        %parallel_loop3A_252 = vector.shape_cast %parallel_loop3A_251 : vector<1x16xf32> to vector<16xf32>
        %parallel_loop3A_253 = vector.shape_cast %parallel_loop3A_248 : vector<16xf32> to vector<1x16xf32>
        tpu.vector_store %arg7[%parallel_loop3A_249, %parallel_loop3A_250], %parallel_loop3A_253 {add = true, strides = array<i32>} : memref<24x256xf32, #tpu.memory_space<vmem>>, vector<1x16xf32>,
      } {sc.loop_unroll_factor = 4 : i64, sc.parallel_access}
    } {sc.loop_unroll_factor = 4 : i64, sc.parallel_access}
    %dma_start3A_114 = arith.constant 5 : i32
    %dma_start3A_115 = arith.constant 0 : i32
    %dma_start3A_116 = arith.constant 0 : i32
    %dma_start3A_117 = arith.constant 0 : i32
    %dma_start3A_118 = tpu.memref_slice %arg6[%dma_start3A_115, %dma_start3A_116, %dma_start3A_117] : memref<2x24x256xf32, #tpu.memory_space<vmem>> -> memref<1x24x256xf32, #tpu.memory_space<vmem>>
    %dma_start3A_119 = tpu.memref_squeeze %dma_start3A_118 : memref<1x24x256xf32, #tpu.memory_space<vmem>> -> memref<24x256xf32, #tpu.memory_space<vmem>>
    %dma_start3A_120 = arith.constant 0 : i32
    %dma_start3A_121 = tpu.memref_slice %arg5[%dma_start3A_114, %dma_start3A_120] : memref<9x24xi32, #tpu.memory_space<vmem>> -> memref<1x24xi32, #tpu.memory_space<vmem>>
    %dma_start3A_122 = tpu.memref_squeeze %dma_start3A_121 : memref<1x24xi32, #tpu.memory_space<vmem>> -> memref<24xi32, #tpu.memory_space<vmem>>
    %dma_start3A_123 = arith.constant 0 : i32
    %dma_start3A_124 = arith.constant 0 : i32
    %dma_start3A_125 = tpu.memref_slice %arg2[%dma_start3A_123, %dma_start3A_124] : memref<900x256xf32, #tpu.memory_space<hbm>> -> memref<900x256xf32, #tpu.memory_space<hbm>>
    tpu.enqueue_indirect_dma source(%dma_start3A_125 : memref<900x256xf32, #tpu.memory_space<hbm>>) target(%dma_start3A_119 : memref<24x256xf32, #tpu.memory_space<vmem>>) offsets(%dma_start3A_122 : memref<24xi32, #tpu.memory_space<vmem>>) semaphore(%arg8 : memref<!tpu.dma_semaphore, #tpu.memory_space<semaphore_mem>>)
    %dma_wait3A_126 = arith.constant 4 : i32
    %dma_wait3A_127 = arith.constant 1 : i32
    %dma_wait3A_128 = arith.constant 0 : i32
    %dma_wait3A_129 = arith.constant 0 : i32
    %dma_wait3A_130 = tpu.memref_slice %arg6[%dma_wait3A_127, %dma_wait3A_128, %dma_wait3A_129] : memref<2x24x256xf32, #tpu.memory_space<vmem>> -> memref<1x24x256xf32, #tpu.memory_space<vmem>>
    %dma_wait3A_131 = tpu.memref_squeeze %dma_wait3A_130 : memref<1x24x256xf32, #tpu.memory_space<vmem>> -> memref<24x256xf32, #tpu.memory_space<vmem>>
    %dma_wait3A_132 = arith.constant 0 : i32
    %dma_wait3A_133 = tpu.memref_slice %arg5[%dma_wait3A_126, %dma_wait3A_132] : memref<9x24xi32, #tpu.memory_space<vmem>> -> memref<1x24xi32, #tpu.memory_space<vmem>>
    %dma_wait3A_134 = tpu.memref_squeeze %dma_wait3A_133 : memref<1x24xi32, #tpu.memory_space<vmem>> -> memref<24xi32, #tpu.memory_space<vmem>>
    %dma_wait3A_135 = arith.constant 0 : i32
    %dma_wait3A_136 = arith.constant 0 : i32
    %dma_wait3A_137 = tpu.memref_slice %arg2[%dma_wait3A_135, %dma_wait3A_136] : memref<900x256xf32, #tpu.memory_space<hbm>> -> memref<900x256xf32, #tpu.memory_space<hbm>>
    tpu.wait_indirect_dma semaphore(%arg9 : memref<!tpu.dma_semaphore, #tpu.memory_space<semaphore_mem>>) src(%dma_wait3A_137 : memref<900x256xf32, #tpu.memory_space<hbm>>) dst(%dma_wait3A_131 : memref<24x256xf32, #tpu.memory_space<vmem>>)
    %parallel_loop3A_138 = arith.constant 0 : i32
    %parallel_loop3A_139 = arith.constant 24 : i32
    %parallel_loop3A_140 = arith.constant 1 : i32
    scf.for %parallel_loop3A_238 = %parallel_loop3A_138 to %parallel_loop3A_139 step %parallel_loop3A_140  : i32 {
      %parallel_loop3A_239 = arith.constant 0 : i32
      %parallel_loop3A_240 = arith.constant 256 : i32
      %parallel_loop3A_241 = arith.constant 16 : i32
      scf.for %parallel_loop3A_242 = %parallel_loop3A_239 to %parallel_loop3A_240 step %parallel_loop3A_241  : i32 {
        %parallel_loop3A_243 = arith.constant 1 : i32
        %parallel_loop3A_244 = arith.index_cast %parallel_loop3A_243 : i32 to index
        %parallel_loop3A_245 = arith.index_cast %parallel_loop3A_238 : i32 to index
        %parallel_loop3A_246 = arith.index_cast %parallel_loop3A_242 : i32 to index
        %parallel_loop3A_247 = tpu.vector_load %arg6[%parallel_loop3A_244, %parallel_loop3A_245, %parallel_loop3A_246] {strides = array<i32>} : memref<2x24x256xf32, #tpu.memory_space<vmem>>, vector<1x1x16xf32>,
        %parallel_loop3A_248 = vector.shape_cast %parallel_loop3A_247 : vector<1x1x16xf32> to vector<16xf32>
        %parallel_loop3A_249 = arith.index_cast %parallel_loop3A_238 : i32 to index
        %parallel_loop3A_250 = arith.index_cast %parallel_loop3A_242 : i32 to index
        %parallel_loop3A_251 = tpu.vector_load %arg7[%parallel_loop3A_249, %parallel_loop3A_250] {strides = array<i32>} : memref<24x256xf32, #tpu.memory_space<vmem>>, vector<1x16xf32>,
        %parallel_loop3A_252 = vector.shape_cast %parallel_loop3A_251 : vector<1x16xf32> to vector<16xf32>
        %parallel_loop3A_253 = vector.shape_cast %parallel_loop3A_248 : vector<16xf32> to vector<1x16xf32>
        tpu.vector_store %arg7[%parallel_loop3A_249, %parallel_loop3A_250], %parallel_loop3A_253 {add = true, strides = array<i32>} : memref<24x256xf32, #tpu.memory_space<vmem>>, vector<1x16xf32>,
      } {sc.loop_unroll_factor = 4 : i64, sc.parallel_access}
    } {sc.loop_unroll_factor = 4 : i64, sc.parallel_access}
    %dma_start3A_141 = arith.constant 6 : i32
    %dma_start3A_142 = arith.constant 1 : i32
    %dma_start3A_143 = arith.constant 0 : i32
    %dma_start3A_144 = arith.constant 0 : i32
    %dma_start3A_145 = tpu.memref_slice %arg6[%dma_start3A_142, %dma_start3A_143, %dma_start3A_144] : memref<2x24x256xf32, #tpu.memory_space<vmem>> -> memref<1x24x256xf32, #tpu.memory_space<vmem>>
    %dma_start3A_146 = tpu.memref_squeeze %dma_start3A_145 : memref<1x24x256xf32, #tpu.memory_space<vmem>> -> memref<24x256xf32, #tpu.memory_space<vmem>>
    %dma_start3A_147 = arith.constant 0 : i32
    %dma_start3A_148 = tpu.memref_slice %arg5[%dma_start3A_141, %dma_start3A_147] : memref<9x24xi32, #tpu.memory_space<vmem>> -> memref<1x24xi32, #tpu.memory_space<vmem>>
    %dma_start3A_149 = tpu.memref_squeeze %dma_start3A_148 : memref<1x24xi32, #tpu.memory_space<vmem>> -> memref<24xi32, #tpu.memory_space<vmem>>
    %dma_start3A_150 = arith.constant 0 : i32
    %dma_start3A_151 = arith.constant 0 : i32
    %dma_start3A_152 = tpu.memref_slice %arg2[%dma_start3A_150, %dma_start3A_151] : memref<900x256xf32, #tpu.memory_space<hbm>> -> memref<900x256xf32, #tpu.memory_space<hbm>>
    tpu.enqueue_indirect_dma source(%dma_start3A_152 : memref<900x256xf32, #tpu.memory_space<hbm>>) target(%dma_start3A_146 : memref<24x256xf32, #tpu.memory_space<vmem>>) offsets(%dma_start3A_149 : memref<24xi32, #tpu.memory_space<vmem>>) semaphore(%arg9 : memref<!tpu.dma_semaphore, #tpu.memory_space<semaphore_mem>>)
    %dma_wait3A_153 = arith.constant 5 : i32
    %dma_wait3A_154 = arith.constant 0 : i32
    %dma_wait3A_155 = arith.constant 0 : i32
    %dma_wait3A_156 = arith.constant 0 : i32
    %dma_wait3A_157 = tpu.memref_slice %arg6[%dma_wait3A_154, %dma_wait3A_155, %dma_wait3A_156] : memref<2x24x256xf32, #tpu.memory_space<vmem>> -> memref<1x24x256xf32, #tpu.memory_space<vmem>>
    %dma_wait3A_158 = tpu.memref_squeeze %dma_wait3A_157 : memref<1x24x256xf32, #tpu.memory_space<vmem>> -> memref<24x256xf32, #tpu.memory_space<vmem>>
    %dma_wait3A_159 = arith.constant 0 : i32
    %dma_wait3A_160 = tpu.memref_slice %arg5[%dma_wait3A_153, %dma_wait3A_159] : memref<9x24xi32, #tpu.memory_space<vmem>> -> memref<1x24xi32, #tpu.memory_space<vmem>>
    %dma_wait3A_161 = tpu.memref_squeeze %dma_wait3A_160 : memref<1x24xi32, #tpu.memory_space<vmem>> -> memref<24xi32, #tpu.memory_space<vmem>>
    %dma_wait3A_162 = arith.constant 0 : i32
    %dma_wait3A_163 = arith.constant 0 : i32
    %dma_wait3A_164 = tpu.memref_slice %arg2[%dma_wait3A_162, %dma_wait3A_163] : memref<900x256xf32, #tpu.memory_space<hbm>> -> memref<900x256xf32, #tpu.memory_space<hbm>>
    tpu.wait_indirect_dma semaphore(%arg8 : memref<!tpu.dma_semaphore, #tpu.memory_space<semaphore_mem>>) src(%dma_wait3A_164 : memref<900x256xf32, #tpu.memory_space<hbm>>) dst(%dma_wait3A_158 : memref<24x256xf32, #tpu.memory_space<vmem>>)
    %parallel_loop3A_165 = arith.constant 0 : i32
    %parallel_loop3A_166 = arith.constant 24 : i32
    %parallel_loop3A_167 = arith.constant 1 : i32
    scf.for %parallel_loop3A_238 = %parallel_loop3A_165 to %parallel_loop3A_166 step %parallel_loop3A_167  : i32 {
      %parallel_loop3A_239 = arith.constant 0 : i32
      %parallel_loop3A_240 = arith.constant 256 : i32
      %parallel_loop3A_241 = arith.constant 16 : i32
      scf.for %parallel_loop3A_242 = %parallel_loop3A_239 to %parallel_loop3A_240 step %parallel_loop3A_241  : i32 {
        %parallel_loop3A_243 = arith.constant 0 : i32
        %parallel_loop3A_244 = arith.index_cast %parallel_loop3A_243 : i32 to index
        %parallel_loop3A_245 = arith.index_cast %parallel_loop3A_238 : i32 to index
        %parallel_loop3A_246 = arith.index_cast %parallel_loop3A_242 : i32 to index
        %parallel_loop3A_247 = tpu.vector_load %arg6[%parallel_loop3A_244, %parallel_loop3A_245, %parallel_loop3A_246] {strides = array<i32>} : memref<2x24x256xf32, #tpu.memory_space<vmem>>, vector<1x1x16xf32>,
        %parallel_loop3A_248 = vector.shape_cast %parallel_loop3A_247 : vector<1x1x16xf32> to vector<16xf32>
        %parallel_loop3A_249 = arith.index_cast %parallel_loop3A_238 : i32 to index
        %parallel_loop3A_250 = arith.index_cast %parallel_loop3A_242 : i32 to index
        %parallel_loop3A_251 = tpu.vector_load %arg7[%parallel_loop3A_249, %parallel_loop3A_250] {strides = array<i32>} : memref<24x256xf32, #tpu.memory_space<vmem>>, vector<1x16xf32>,
        %parallel_loop3A_252 = vector.shape_cast %parallel_loop3A_251 : vector<1x16xf32> to vector<16xf32>
        %parallel_loop3A_253 = vector.shape_cast %parallel_loop3A_248 : vector<16xf32> to vector<1x16xf32>
        tpu.vector_store %arg7[%parallel_loop3A_249, %parallel_loop3A_250], %parallel_loop3A_253 {add = true, strides = array<i32>} : memref<24x256xf32, #tpu.memory_space<vmem>>, vector<1x16xf32>,
      } {sc.loop_unroll_factor = 4 : i64, sc.parallel_access}
    } {sc.loop_unroll_factor = 4 : i64, sc.parallel_access}
    %dma_start3A_168 = arith.constant 7 : i32
    %dma_start3A_169 = arith.constant 0 : i32
    %dma_start3A_170 = arith.constant 0 : i32
    %dma_start3A_171 = arith.constant 0 : i32
    %dma_start3A_172 = tpu.memref_slice %arg6[%dma_start3A_169, %dma_start3A_170, %dma_start3A_171] : memref<2x24x256xf32, #tpu.memory_space<vmem>> -> memref<1x24x256xf32, #tpu.memory_space<vmem>>
    %dma_start3A_173 = tpu.memref_squeeze %dma_start3A_172 : memref<1x24x256xf32, #tpu.memory_space<vmem>> -> memref<24x256xf32, #tpu.memory_space<vmem>>
    %dma_start3A_174 = arith.constant 0 : i32
    %dma_start3A_175 = tpu.memref_slice %arg5[%dma_start3A_168, %dma_start3A_174] : memref<9x24xi32, #tpu.memory_space<vmem>> -> memref<1x24xi32, #tpu.memory_space<vmem>>
    %dma_start3A_176 = tpu.memref_squeeze %dma_start3A_175 : memref<1x24xi32, #tpu.memory_space<vmem>> -> memref<24xi32, #tpu.memory_space<vmem>>
    %dma_start3A_177 = arith.constant 0 : i32
    %dma_start3A_178 = arith.constant 0 : i32
    %dma_start3A_179 = tpu.memref_slice %arg2[%dma_start3A_177, %dma_start3A_178] : memref<900x256xf32, #tpu.memory_space<hbm>> -> memref<900x256xf32, #tpu.memory_space<hbm>>
    tpu.enqueue_indirect_dma source(%dma_start3A_179 : memref<900x256xf32, #tpu.memory_space<hbm>>) target(%dma_start3A_173 : memref<24x256xf32, #tpu.memory_space<vmem>>) offsets(%dma_start3A_176 : memref<24xi32, #tpu.memory_space<vmem>>) semaphore(%arg8 : memref<!tpu.dma_semaphore, #tpu.memory_space<semaphore_mem>>)
    %dma_wait3A_180 = arith.constant 6 : i32
    %dma_wait3A_181 = arith.constant 1 : i32
    %dma_wait3A_182 = arith.constant 0 : i32
    %dma_wait3A_183 = arith.constant 0 : i32
    %dma_wait3A_184 = tpu.memref_slice %arg6[%dma_wait3A_181, %dma_wait3A_182, %dma_wait3A_183] : memref<2x24x256xf32, #tpu.memory_space<vmem>> -> memref<1x24x256xf32, #tpu.memory_space<vmem>>
    %dma_wait3A_185 = tpu.memref_squeeze %dma_wait3A_184 : memref<1x24x256xf32, #tpu.memory_space<vmem>> -> memref<24x256xf32, #tpu.memory_space<vmem>>
    %dma_wait3A_186 = arith.constant 0 : i32
    %dma_wait3A_187 = tpu.memref_slice %arg5[%dma_wait3A_180, %dma_wait3A_186] : memref<9x24xi32, #tpu.memory_space<vmem>> -> memref<1x24xi32, #tpu.memory_space<vmem>>
    %dma_wait3A_188 = tpu.memref_squeeze %dma_wait3A_187 : memref<1x24xi32, #tpu.memory_space<vmem>> -> memref<24xi32, #tpu.memory_space<vmem>>
    %dma_wait3A_189 = arith.constant 0 : i32
    %dma_wait3A_190 = arith.constant 0 : i32
    %dma_wait3A_191 = tpu.memref_slice %arg2[%dma_wait3A_189, %dma_wait3A_190] : memref<900x256xf32, #tpu.memory_space<hbm>> -> memref<900x256xf32, #tpu.memory_space<hbm>>
    tpu.wait_indirect_dma semaphore(%arg9 : memref<!tpu.dma_semaphore, #tpu.memory_space<semaphore_mem>>) src(%dma_wait3A_191 : memref<900x256xf32, #tpu.memory_space<hbm>>) dst(%dma_wait3A_185 : memref<24x256xf32, #tpu.memory_space<vmem>>)
    %parallel_loop3A_192 = arith.constant 0 : i32
    %parallel_loop3A_193 = arith.constant 24 : i32
    %parallel_loop3A_194 = arith.constant 1 : i32
    scf.for %parallel_loop3A_238 = %parallel_loop3A_192 to %parallel_loop3A_193 step %parallel_loop3A_194  : i32 {
      %parallel_loop3A_239 = arith.constant 0 : i32
      %parallel_loop3A_240 = arith.constant 256 : i32
      %parallel_loop3A_241 = arith.constant 16 : i32
      scf.for %parallel_loop3A_242 = %parallel_loop3A_239 to %parallel_loop3A_240 step %parallel_loop3A_241  : i32 {
        %parallel_loop3A_243 = arith.constant 1 : i32
        %parallel_loop3A_244 = arith.index_cast %parallel_loop3A_243 : i32 to index
        %parallel_loop3A_245 = arith.index_cast %parallel_loop3A_238 : i32 to index
        %parallel_loop3A_246 = arith.index_cast %parallel_loop3A_242 : i32 to index
        %parallel_loop3A_247 = tpu.vector_load %arg6[%parallel_loop3A_244, %parallel_loop3A_245, %parallel_loop3A_246] {strides = array<i32>} : memref<2x24x256xf32, #tpu.memory_space<vmem>>, vector<1x1x16xf32>,
        %parallel_loop3A_248 = vector.shape_cast %parallel_loop3A_247 : vector<1x1x16xf32> to vector<16xf32>
        %parallel_loop3A_249 = arith.index_cast %parallel_loop3A_238 : i32 to index
        %parallel_loop3A_250 = arith.index_cast %parallel_loop3A_242 : i32 to index
        %parallel_loop3A_251 = tpu.vector_load %arg7[%parallel_loop3A_249, %parallel_loop3A_250] {strides = array<i32>} : memref<24x256xf32, #tpu.memory_space<vmem>>, vector<1x16xf32>,
        %parallel_loop3A_252 = vector.shape_cast %parallel_loop3A_251 : vector<1x16xf32> to vector<16xf32>
        %parallel_loop3A_253 = vector.shape_cast %parallel_loop3A_248 : vector<16xf32> to vector<1x16xf32>
        tpu.vector_store %arg7[%parallel_loop3A_249, %parallel_loop3A_250], %parallel_loop3A_253 {add = true, strides = array<i32>} : memref<24x256xf32, #tpu.memory_space<vmem>>, vector<1x16xf32>,
      } {sc.loop_unroll_factor = 4 : i64, sc.parallel_access}
    } {sc.loop_unroll_factor = 4 : i64, sc.parallel_access}
    %dma_start3A_195 = arith.constant 8 : i32
    %dma_start3A_196 = arith.constant 1 : i32
    %dma_start3A_197 = arith.constant 0 : i32
    %dma_start3A_198 = arith.constant 0 : i32
    %dma_start3A_199 = tpu.memref_slice %arg6[%dma_start3A_196, %dma_start3A_197, %dma_start3A_198] : memref<2x24x256xf32, #tpu.memory_space<vmem>> -> memref<1x24x256xf32, #tpu.memory_space<vmem>>
    %dma_start3A_200 = tpu.memref_squeeze %dma_start3A_199 : memref<1x24x256xf32, #tpu.memory_space<vmem>> -> memref<24x256xf32, #tpu.memory_space<vmem>>
    %dma_start3A_201 = arith.constant 0 : i32
    %dma_start3A_202 = tpu.memref_slice %arg5[%dma_start3A_195, %dma_start3A_201] : memref<9x24xi32, #tpu.memory_space<vmem>> -> memref<1x24xi32, #tpu.memory_space<vmem>>
    %dma_start3A_203 = tpu.memref_squeeze %dma_start3A_202 : memref<1x24xi32, #tpu.memory_space<vmem>> -> memref<24xi32, #tpu.memory_space<vmem>>
    %dma_start3A_204 = arith.constant 0 : i32
    %dma_start3A_205 = arith.constant 0 : i32
    %dma_start3A_206 = tpu.memref_slice %arg2[%dma_start3A_204, %dma_start3A_205] : memref<900x256xf32, #tpu.memory_space<hbm>> -> memref<900x256xf32, #tpu.memory_space<hbm>>
    tpu.enqueue_indirect_dma source(%dma_start3A_206 : memref<900x256xf32, #tpu.memory_space<hbm>>) target(%dma_start3A_200 : memref<24x256xf32, #tpu.memory_space<vmem>>) offsets(%dma_start3A_203 : memref<24xi32, #tpu.memory_space<vmem>>) semaphore(%arg9 : memref<!tpu.dma_semaphore, #tpu.memory_space<semaphore_mem>>)
    %dma_wait3A_207 = arith.constant 7 : i32
    %dma_wait3A_208 = arith.constant 0 : i32
    %dma_wait3A_209 = arith.constant 0 : i32
    %dma_wait3A_210 = arith.constant 0 : i32
    %dma_wait3A_211 = tpu.memref_slice %arg6[%dma_wait3A_208, %dma_wait3A_209, %dma_wait3A_210] : memref<2x24x256xf32, #tpu.memory_space<vmem>> -> memref<1x24x256xf32, #tpu.memory_space<vmem>>
    %dma_wait3A_212 = tpu.memref_squeeze %dma_wait3A_211 : memref<1x24x256xf32, #tpu.memory_space<vmem>> -> memref<24x256xf32, #tpu.memory_space<vmem>>
    %dma_wait3A_213 = arith.constant 0 : i32
    %dma_wait3A_214 = tpu.memref_slice %arg5[%dma_wait3A_207, %dma_wait3A_213] : memref<9x24xi32, #tpu.memory_space<vmem>> -> memref<1x24xi32, #tpu.memory_space<vmem>>
    %dma_wait3A_215 = tpu.memref_squeeze %dma_wait3A_214 : memref<1x24xi32, #tpu.memory_space<vmem>> -> memref<24xi32, #tpu.memory_space<vmem>>
    %dma_wait3A_216 = arith.constant 0 : i32
    %dma_wait3A_217 = arith.constant 0 : i32
    %dma_wait3A_218 = tpu.memref_slice %arg2[%dma_wait3A_216, %dma_wait3A_217] : memref<900x256xf32, #tpu.memory_space<hbm>> -> memref<900x256xf32, #tpu.memory_space<hbm>>
    tpu.wait_indirect_dma semaphore(%arg8 : memref<!tpu.dma_semaphore, #tpu.memory_space<semaphore_mem>>) src(%dma_wait3A_218 : memref<900x256xf32, #tpu.memory_space<hbm>>) dst(%dma_wait3A_212 : memref<24x256xf32, #tpu.memory_space<vmem>>)
    %parallel_loop3A_219 = arith.constant 0 : i32
    %parallel_loop3A_220 = arith.constant 24 : i32
    %parallel_loop3A_221 = arith.constant 1 : i32
    scf.for %parallel_loop3A_238 = %parallel_loop3A_219 to %parallel_loop3A_220 step %parallel_loop3A_221  : i32 {
      %parallel_loop3A_239 = arith.constant 0 : i32
      %parallel_loop3A_240 = arith.constant 256 : i32
      %parallel_loop3A_241 = arith.constant 16 : i32
      scf.for %parallel_loop3A_242 = %parallel_loop3A_239 to %parallel_loop3A_240 step %parallel_loop3A_241  : i32 {
        %parallel_loop3A_243 = arith.constant 0 : i32
        %parallel_loop3A_244 = arith.index_cast %parallel_loop3A_243 : i32 to index
        %parallel_loop3A_245 = arith.index_cast %parallel_loop3A_238 : i32 to index
        %parallel_loop3A_246 = arith.index_cast %parallel_loop3A_242 : i32 to index
        %parallel_loop3A_247 = tpu.vector_load %arg6[%parallel_loop3A_244, %parallel_loop3A_245, %parallel_loop3A_246] {strides = array<i32>} : memref<2x24x256xf32, #tpu.memory_space<vmem>>, vector<1x1x16xf32>,
        %parallel_loop3A_248 = vector.shape_cast %parallel_loop3A_247 : vector<1x1x16xf32> to vector<16xf32>
        %parallel_loop3A_249 = arith.index_cast %parallel_loop3A_238 : i32 to index
        %parallel_loop3A_250 = arith.index_cast %parallel_loop3A_242 : i32 to index
        %parallel_loop3A_251 = tpu.vector_load %arg7[%parallel_loop3A_249, %parallel_loop3A_250] {strides = array<i32>} : memref<24x256xf32, #tpu.memory_space<vmem>>, vector<1x16xf32>,
        %parallel_loop3A_252 = vector.shape_cast %parallel_loop3A_251 : vector<1x16xf32> to vector<16xf32>
        %parallel_loop3A_253 = vector.shape_cast %parallel_loop3A_248 : vector<16xf32> to vector<1x16xf32>
        tpu.vector_store %arg7[%parallel_loop3A_249, %parallel_loop3A_250], %parallel_loop3A_253 {add = true, strides = array<i32>} : memref<24x256xf32, #tpu.memory_space<vmem>>, vector<1x16xf32>,
      } {sc.loop_unroll_factor = 4 : i64, sc.parallel_access}
    } {sc.loop_unroll_factor = 4 : i64, sc.parallel_access}
    %dma_wait3A_222 = arith.constant 8 : i32
    %dma_wait3A_223 = arith.constant 1 : i32
    %dma_wait3A_224 = arith.constant 0 : i32
    %dma_wait3A_225 = arith.constant 0 : i32
    %dma_wait3A_226 = tpu.memref_slice %arg6[%dma_wait3A_223, %dma_wait3A_224, %dma_wait3A_225] : memref<2x24x256xf32, #tpu.memory_space<vmem>> -> memref<1x24x256xf32, #tpu.memory_space<vmem>>
    %dma_wait3A_227 = tpu.memref_squeeze %dma_wait3A_226 : memref<1x24x256xf32, #tpu.memory_space<vmem>> -> memref<24x256xf32, #tpu.memory_space<vmem>>
    %dma_wait3A_228 = arith.constant 0 : i32
    %dma_wait3A_229 = tpu.memref_slice %arg5[%dma_wait3A_222, %dma_wait3A_228] : memref<9x24xi32, #tpu.memory_space<vmem>> -> memref<1x24xi32, #tpu.memory_space<vmem>>
    %dma_wait3A_230 = tpu.memref_squeeze %dma_wait3A_229 : memref<1x24xi32, #tpu.memory_space<vmem>> -> memref<24xi32, #tpu.memory_space<vmem>>
    %dma_wait3A_231 = arith.constant 0 : i32
    %dma_wait3A_232 = arith.constant 0 : i32
    %dma_wait3A_233 = tpu.memref_slice %arg2[%dma_wait3A_231, %dma_wait3A_232] : memref<900x256xf32, #tpu.memory_space<hbm>> -> memref<900x256xf32, #tpu.memory_space<hbm>>
    tpu.wait_indirect_dma semaphore(%arg9 : memref<!tpu.dma_semaphore, #tpu.memory_space<semaphore_mem>>) src(%dma_wait3A_233 : memref<900x256xf32, #tpu.memory_space<hbm>>) dst(%dma_wait3A_227 : memref<24x256xf32, #tpu.memory_space<vmem>>)
    %parallel_loop3A_234 = arith.constant 0 : i32
    %parallel_loop3A_235 = arith.constant 24 : i32
    %parallel_loop3A_236 = arith.constant 1 : i32
    scf.for %parallel_loop3A_238 = %parallel_loop3A_234 to %parallel_loop3A_235 step %parallel_loop3A_236  : i32 {
      %parallel_loop3A_239 = arith.constant 0 : i32
      %parallel_loop3A_240 = arith.constant 256 : i32
      %parallel_loop3A_241 = arith.constant 16 : i32
      scf.for %parallel_loop3A_242 = %parallel_loop3A_239 to %parallel_loop3A_240 step %parallel_loop3A_241  : i32 {
        %parallel_loop3A_243 = arith.constant 1 : i32
        %parallel_loop3A_244 = arith.index_cast %parallel_loop3A_243 : i32 to index
        %parallel_loop3A_245 = arith.index_cast %parallel_loop3A_238 : i32 to index
        %parallel_loop3A_246 = arith.index_cast %parallel_loop3A_242 : i32 to index
        %parallel_loop3A_247 = tpu.vector_load %arg6[%parallel_loop3A_244, %parallel_loop3A_245, %parallel_loop3A_246] {strides = array<i32>} : memref<2x24x256xf32, #tpu.memory_space<vmem>>, vector<1x1x16xf32>,
        %parallel_loop3A_248 = vector.shape_cast %parallel_loop3A_247 : vector<1x1x16xf32> to vector<16xf32>
        %parallel_loop3A_249 = arith.index_cast %parallel_loop3A_238 : i32 to index
        %parallel_loop3A_250 = arith.index_cast %parallel_loop3A_242 : i32 to index
        %parallel_loop3A_251 = tpu.vector_load %arg7[%parallel_loop3A_249, %parallel_loop3A_250] {strides = array<i32>} : memref<24x256xf32, #tpu.memory_space<vmem>>, vector<1x16xf32>,
        %parallel_loop3A_252 = vector.shape_cast %parallel_loop3A_251 : vector<1x16xf32> to vector<16xf32>
        %parallel_loop3A_253 = vector.shape_cast %parallel_loop3A_248 : vector<16xf32> to vector<1x16xf32>
        tpu.vector_store %arg7[%parallel_loop3A_249, %parallel_loop3A_250], %parallel_loop3A_253 {add = true, strides = array<i32>} : memref<24x256xf32, #tpu.memory_space<vmem>>, vector<1x16xf32>,
      } {sc.loop_unroll_factor = 4 : i64, sc.parallel_access}
    } {sc.loop_unroll_factor = 4 : i64, sc.parallel_access}
    "tpu.region"() ({
      %run_scoped3A = tpu.sem_alloc : memref<!tpu.dma_semaphore, #tpu.memory_space<semaphore_mem>>
      %dma_start3A_238 = arith.constant 0 : i32
      %dma_start3A_239 = tpu.memref_slice %arg4[%mul3A_9, %dma_start3A_238] : memref<768x256xf32, #tpu.memory_space<hbm>> -> memref<24x256xf32, #tpu.memory_space<hbm>>
      %dma_start3A_240 = arith.constant 0 : i32
      %dma_start3A_241 = tpu.memref_slice %arg4[%mul3A_9, %dma_start3A_240] : memref<768x256xf32, #tpu.memory_space<hbm>> -> memref<24x256xf32, #tpu.memory_space<hbm>>
      tpu.enqueue_dma source(%arg7 : memref<24x256xf32, #tpu.memory_space<vmem>>) target(%dma_start3A_241 : memref<24x256xf32, #tpu.memory_space<hbm>>) target_semaphore(%run_scoped3A : memref<!tpu.dma_semaphore, #tpu.memory_space<semaphore_mem>>)
      %dma_wait3A_242 = arith.constant 0 : i32
      %dma_wait3A_243 = tpu.memref_slice %arg4[%mul3A_9, %dma_wait3A_242] : memref<768x256xf32, #tpu.memory_space<hbm>> -> memref<24x256xf32, #tpu.memory_space<hbm>>
      %dma_wait3A_244 = arith.constant 0 : i32
      %dma_wait3A_245 = tpu.memref_slice %arg4[%mul3A_9, %dma_wait3A_244] : memref<768x256xf32, #tpu.memory_space<hbm>> -> memref<24x256xf32, #tpu.memory_space<hbm>>
      tpu.wait_dma2 semaphore(%run_scoped3A : memref<!tpu.dma_semaphore, #tpu.memory_space<semaphore_mem>>) src(%arg7 : memref<24x256xf32, #tpu.memory_space<vmem>>) dst(%dma_wait3A_245 : memref<24x256xf32, #tpu.memory_space<hbm>>)
      tpu.yield
    }) : () -> ()
    %scan3A_237 = arith.constant 1 : i32
    return
  }
}

module attributes {stable_mosaic.version = 14 : i64} {
  func.func @_tc_body(%arg0: i32, %arg1: memref<1x9x7088xbf16, #tpu.memory_space<vmem>>, %arg2: memref<128x7088xbf16, #tpu.memory_space<vmem>>, %arg3: memref<1152x256xbf16, #tpu.memory_space<vmem>>, %arg4: memref<7088x256xf32, #tpu.memory_space<vmem>>) attributes {dimension_semantics = [#tpu.dimension_semantics<arbitrary>], iteration_bounds = array<i64: 14>, scalar_prefetch = 0 : i64, scratch_operands = 0 : i64, tpu.core_type = #tpu.core_type<tc>, window_params = [{transform_indices = @transform_0, window_bounds = array<i64: 1, 9, 7088>}, {pipeline_mode = #tpu.pipeline_mode<synchronous>, transform_indices = @transform_1, window_bounds = array<i64: 128, 7088>}, {pipeline_mode = #tpu.pipeline_mode<synchronous>, transform_indices = @transform_2, window_bounds = array<i64: 1152, 256>}, {transform_indices = @transform_3, window_bounds = array<i64: 7088, 256>}]} {
    %get3A = arith.constant 0 : index
    %get3A_0 = arith.constant 0 : index
    %get3A_1 = arith.constant 0 : index
    %get3A_2 = vector.load %arg1[%get3A, %get3A_0, %get3A_1] : memref<1x9x7088xbf16, #tpu.memory_space<vmem>>, vector<1x9x7088xbf16>
    %get3A_3 = vector.shape_cast %get3A_2 : vector<1x9x7088xbf16> to vector<9x7088xbf16>
    %get3A_4 = arith.constant 0 : index
    %get3A_5 = arith.constant 0 : index
    %get3A_6 = vector.load %arg2[%get3A_4, %get3A_5] : memref<128x7088xbf16, #tpu.memory_space<vmem>>, vector<128x7088xbf16>
    %slice3A = vector.extract_strided_slice %get3A_3 {offsets = [0, 0], sizes = [1, 7088], strides = [1, 1]} : vector<9x7088xbf16> to vector<1x7088xbf16>
    %squeeze3A = vector.shape_cast %slice3A : vector<1x7088xbf16> to vector<7088xbf16>
    %broadcast_in_dim3A = vector.shape_cast %squeeze3A : vector<7088xbf16> to vector<1x7088xbf16>
    %eq3A = vector.broadcast %broadcast_in_dim3A : vector<1x7088xbf16> to vector<128x7088xbf16>
    %eq3A_7 = arith.cmpf oeq, %eq3A, %get3A_6 : vector<128x7088xbf16>
    %jit3A = arith.constant 1.000000e+00 : bf16
    %jit3A_8 = arith.constant 0.000000e+00 : bf16
    %broadcast_in_dim3A_9 = vector.broadcast %jit3A : bf16 to vector<128x7088xbf16>
    %broadcast_in_dim3A_10 = vector.broadcast %jit3A_8 : bf16 to vector<128x7088xbf16>
    %select_n3A = arith.select %eq3A_7, %broadcast_in_dim3A_9, %broadcast_in_dim3A_10 : vector<128x7088xi1>, vector<128x7088xbf16>
    %slice3A_11 = vector.extract_strided_slice %get3A_3 {offsets = [1, 0], sizes = [1, 7088], strides = [1, 1]} : vector<9x7088xbf16> to vector<1x7088xbf16>
    %squeeze3A_12 = vector.shape_cast %slice3A_11 : vector<1x7088xbf16> to vector<7088xbf16>
    %broadcast_in_dim3A_13 = vector.shape_cast %squeeze3A_12 : vector<7088xbf16> to vector<1x7088xbf16>
    %eq3A_14 = vector.broadcast %broadcast_in_dim3A_13 : vector<1x7088xbf16> to vector<128x7088xbf16>
    %eq3A_15 = arith.cmpf oeq, %eq3A_14, %get3A_6 : vector<128x7088xbf16>
    %jit3A_16 = arith.constant 1.000000e+00 : bf16
    %jit3A_17 = arith.constant 0.000000e+00 : bf16
    %broadcast_in_dim3A_18 = vector.broadcast %jit3A_16 : bf16 to vector<128x7088xbf16>
    %broadcast_in_dim3A_19 = vector.broadcast %jit3A_17 : bf16 to vector<128x7088xbf16>
    %select_n3A_20 = arith.select %eq3A_15, %broadcast_in_dim3A_18, %broadcast_in_dim3A_19 : vector<128x7088xi1>, vector<128x7088xbf16>
    %slice3A_21 = vector.extract_strided_slice %get3A_3 {offsets = [2, 0], sizes = [1, 7088], strides = [1, 1]} : vector<9x7088xbf16> to vector<1x7088xbf16>
    %squeeze3A_22 = vector.shape_cast %slice3A_21 : vector<1x7088xbf16> to vector<7088xbf16>
    %broadcast_in_dim3A_23 = vector.shape_cast %squeeze3A_22 : vector<7088xbf16> to vector<1x7088xbf16>
    %eq3A_24 = vector.broadcast %broadcast_in_dim3A_23 : vector<1x7088xbf16> to vector<128x7088xbf16>
    %eq3A_25 = arith.cmpf oeq, %eq3A_24, %get3A_6 : vector<128x7088xbf16>
    %jit3A_26 = arith.constant 1.000000e+00 : bf16
    %jit3A_27 = arith.constant 0.000000e+00 : bf16
    %broadcast_in_dim3A_28 = vector.broadcast %jit3A_26 : bf16 to vector<128x7088xbf16>
    %broadcast_in_dim3A_29 = vector.broadcast %jit3A_27 : bf16 to vector<128x7088xbf16>
    %select_n3A_30 = arith.select %eq3A_25, %broadcast_in_dim3A_28, %broadcast_in_dim3A_29 : vector<128x7088xi1>, vector<128x7088xbf16>
    %slice3A_31 = vector.extract_strided_slice %get3A_3 {offsets = [3, 0], sizes = [1, 7088], strides = [1, 1]} : vector<9x7088xbf16> to vector<1x7088xbf16>
    %squeeze3A_32 = vector.shape_cast %slice3A_31 : vector<1x7088xbf16> to vector<7088xbf16>
    %broadcast_in_dim3A_33 = vector.shape_cast %squeeze3A_32 : vector<7088xbf16> to vector<1x7088xbf16>
    %eq3A_34 = vector.broadcast %broadcast_in_dim3A_33 : vector<1x7088xbf16> to vector<128x7088xbf16>
    %eq3A_35 = arith.cmpf oeq, %eq3A_34, %get3A_6 : vector<128x7088xbf16>
    %jit3A_36 = arith.constant 1.000000e+00 : bf16
    %jit3A_37 = arith.constant 0.000000e+00 : bf16
    %broadcast_in_dim3A_38 = vector.broadcast %jit3A_36 : bf16 to vector<128x7088xbf16>
    %broadcast_in_dim3A_39 = vector.broadcast %jit3A_37 : bf16 to vector<128x7088xbf16>
    %select_n3A_40 = arith.select %eq3A_35, %broadcast_in_dim3A_38, %broadcast_in_dim3A_39 : vector<128x7088xi1>, vector<128x7088xbf16>
    %slice3A_41 = vector.extract_strided_slice %get3A_3 {offsets = [4, 0], sizes = [1, 7088], strides = [1, 1]} : vector<9x7088xbf16> to vector<1x7088xbf16>
    %squeeze3A_42 = vector.shape_cast %slice3A_41 : vector<1x7088xbf16> to vector<7088xbf16>
    %broadcast_in_dim3A_43 = vector.shape_cast %squeeze3A_42 : vector<7088xbf16> to vector<1x7088xbf16>
    %eq3A_44 = vector.broadcast %broadcast_in_dim3A_43 : vector<1x7088xbf16> to vector<128x7088xbf16>
    %eq3A_45 = arith.cmpf oeq, %eq3A_44, %get3A_6 : vector<128x7088xbf16>
    %jit3A_46 = arith.constant 1.000000e+00 : bf16
    %jit3A_47 = arith.constant 0.000000e+00 : bf16
    %broadcast_in_dim3A_48 = vector.broadcast %jit3A_46 : bf16 to vector<128x7088xbf16>
    %broadcast_in_dim3A_49 = vector.broadcast %jit3A_47 : bf16 to vector<128x7088xbf16>
    %select_n3A_50 = arith.select %eq3A_45, %broadcast_in_dim3A_48, %broadcast_in_dim3A_49 : vector<128x7088xi1>, vector<128x7088xbf16>
    %slice3A_51 = vector.extract_strided_slice %get3A_3 {offsets = [5, 0], sizes = [1, 7088], strides = [1, 1]} : vector<9x7088xbf16> to vector<1x7088xbf16>
    %squeeze3A_52 = vector.shape_cast %slice3A_51 : vector<1x7088xbf16> to vector<7088xbf16>
    %broadcast_in_dim3A_53 = vector.shape_cast %squeeze3A_52 : vector<7088xbf16> to vector<1x7088xbf16>
    %eq3A_54 = vector.broadcast %broadcast_in_dim3A_53 : vector<1x7088xbf16> to vector<128x7088xbf16>
    %eq3A_55 = arith.cmpf oeq, %eq3A_54, %get3A_6 : vector<128x7088xbf16>
    %jit3A_56 = arith.constant 1.000000e+00 : bf16
    %jit3A_57 = arith.constant 0.000000e+00 : bf16
    %broadcast_in_dim3A_58 = vector.broadcast %jit3A_56 : bf16 to vector<128x7088xbf16>
    %broadcast_in_dim3A_59 = vector.broadcast %jit3A_57 : bf16 to vector<128x7088xbf16>
    %select_n3A_60 = arith.select %eq3A_55, %broadcast_in_dim3A_58, %broadcast_in_dim3A_59 : vector<128x7088xi1>, vector<128x7088xbf16>
    %slice3A_61 = vector.extract_strided_slice %get3A_3 {offsets = [6, 0], sizes = [1, 7088], strides = [1, 1]} : vector<9x7088xbf16> to vector<1x7088xbf16>
    %squeeze3A_62 = vector.shape_cast %slice3A_61 : vector<1x7088xbf16> to vector<7088xbf16>
    %broadcast_in_dim3A_63 = vector.shape_cast %squeeze3A_62 : vector<7088xbf16> to vector<1x7088xbf16>
    %eq3A_64 = vector.broadcast %broadcast_in_dim3A_63 : vector<1x7088xbf16> to vector<128x7088xbf16>
    %eq3A_65 = arith.cmpf oeq, %eq3A_64, %get3A_6 : vector<128x7088xbf16>
    %jit3A_66 = arith.constant 1.000000e+00 : bf16
    %jit3A_67 = arith.constant 0.000000e+00 : bf16
    %broadcast_in_dim3A_68 = vector.broadcast %jit3A_66 : bf16 to vector<128x7088xbf16>
    %broadcast_in_dim3A_69 = vector.broadcast %jit3A_67 : bf16 to vector<128x7088xbf16>
    %select_n3A_70 = arith.select %eq3A_65, %broadcast_in_dim3A_68, %broadcast_in_dim3A_69 : vector<128x7088xi1>, vector<128x7088xbf16>
    %slice3A_71 = vector.extract_strided_slice %get3A_3 {offsets = [7, 0], sizes = [1, 7088], strides = [1, 1]} : vector<9x7088xbf16> to vector<1x7088xbf16>
    %squeeze3A_72 = vector.shape_cast %slice3A_71 : vector<1x7088xbf16> to vector<7088xbf16>
    %broadcast_in_dim3A_73 = vector.shape_cast %squeeze3A_72 : vector<7088xbf16> to vector<1x7088xbf16>
    %eq3A_74 = vector.broadcast %broadcast_in_dim3A_73 : vector<1x7088xbf16> to vector<128x7088xbf16>
    %eq3A_75 = arith.cmpf oeq, %eq3A_74, %get3A_6 : vector<128x7088xbf16>
    %jit3A_76 = arith.constant 1.000000e+00 : bf16
    %jit3A_77 = arith.constant 0.000000e+00 : bf16
    %broadcast_in_dim3A_78 = vector.broadcast %jit3A_76 : bf16 to vector<128x7088xbf16>
    %broadcast_in_dim3A_79 = vector.broadcast %jit3A_77 : bf16 to vector<128x7088xbf16>
    %select_n3A_80 = arith.select %eq3A_75, %broadcast_in_dim3A_78, %broadcast_in_dim3A_79 : vector<128x7088xi1>, vector<128x7088xbf16>
    %slice3A_81 = vector.extract_strided_slice %get3A_3 {offsets = [8, 0], sizes = [1, 7088], strides = [1, 1]} : vector<9x7088xbf16> to vector<1x7088xbf16>
    %squeeze3A_82 = vector.shape_cast %slice3A_81 : vector<1x7088xbf16> to vector<7088xbf16>
    %broadcast_in_dim3A_83 = vector.shape_cast %squeeze3A_82 : vector<7088xbf16> to vector<1x7088xbf16>
    %eq3A_84 = vector.broadcast %broadcast_in_dim3A_83 : vector<1x7088xbf16> to vector<128x7088xbf16>
    %eq3A_85 = arith.cmpf oeq, %eq3A_84, %get3A_6 : vector<128x7088xbf16>
    %jit3A_86 = arith.constant 1.000000e+00 : bf16
    %jit3A_87 = arith.constant 0.000000e+00 : bf16
    %broadcast_in_dim3A_88 = vector.broadcast %jit3A_86 : bf16 to vector<128x7088xbf16>
    %broadcast_in_dim3A_89 = vector.broadcast %jit3A_87 : bf16 to vector<128x7088xbf16>
    %select_n3A_90 = arith.select %eq3A_85, %broadcast_in_dim3A_88, %broadcast_in_dim3A_89 : vector<128x7088xi1>, vector<128x7088xbf16>
    %concatenate3A = tpu.concatenate %select_n3A, %select_n3A_20, %select_n3A_30, %select_n3A_40, %select_n3A_50, %select_n3A_60, %select_n3A_70, %select_n3A_80, %select_n3A_90 in 0 : vector<128x7088xbf16>, vector<128x7088xbf16>, vector<128x7088xbf16>, vector<128x7088xbf16>, vector<128x7088xbf16>, vector<128x7088xbf16>, vector<128x7088xbf16>, vector<128x7088xbf16>, vector<128x7088xbf16> -> vector<1152x7088xbf16>
    %get3A_91 = arith.constant 0 : index
    %get3A_92 = arith.constant 0 : index
    %get3A_93 = vector.load %arg3[%get3A_91, %get3A_92] : memref<1152x256xbf16, #tpu.memory_space<vmem>>, vector<1152x256xbf16>
    %dot_general3A = arith.constant dense<0.000000e+00> : vector<7088x256xf32>
    %dot_general3A_94 = tpu.matmul %concatenate3A, %get3A_93, %dot_general3A {dimension_numbers = #tpu.dot_dimension_numbers<[0], [0], [1], [1], [0, 1, 1, 1], [], []>, transpose_lhs_hint = false} : vector<1152x7088xbf16>, vector<1152x256xbf16>, vector<7088x256xf32> -> vector<7088x256xf32>
    %swap3A = arith.constant 0 : index
    %swap3A_95 = arith.constant 0 : index
    %swap3A_96 = vector.load %arg4[%swap3A, %swap3A_95] : memref<7088x256xf32, #tpu.memory_space<vmem>>, vector<7088x256xf32>
    tpu.vector_store %arg4[%swap3A, %swap3A_95], %dot_general3A_94 {strides = array<i32>} : memref<7088x256xf32, #tpu.memory_space<vmem>>, vector<7088x256xf32>,
    return
  }
  func.func @transform_0(%arg0: i32) -> (i32, i32, i32) {
    %c0_i32 = arith.constant 0 : i32
    %c0_i32_0 = arith.constant 0 : i32
    %c0_i32_1 = arith.constant 0 : i32
    return %arg0, %c0_i32, %c0_i32_0 : i32, i32, i32
  }
  func.func @transform_1(%arg0: i32) -> (i32, i32) {
    %c0_i32 = arith.constant 0 : i32
    %c0_i32_0 = arith.constant 0 : i32
    %c0_i32_1 = arith.constant 0 : i32
    return %c0_i32, %c0_i32_0 : i32, i32
  }
  func.func @transform_2(%arg0: i32) -> (i32, i32) {
    %c0_i32 = arith.constant 0 : i32
    %c0_i32_0 = arith.constant 0 : i32
    %c0_i32_1 = arith.constant 0 : i32
    return %c0_i32, %c0_i32_0 : i32, i32
  }
  func.func @transform_3(%arg0: i32) -> (i32, i32) {
    %c0_i32 = arith.constant 0 : i32
    %c0_i32_0 = arith.constant 0 : i32
    return %arg0, %c0_i32 : i32, i32
  }
}

</mosaic_0001>

<sc_bundles>
// kernel: kernel.4.cloned.1.call-start
scs
__scs_entry_jumppad:
0x0: {  	(pc) =	sbr.rel $0x88, $3  }
0x1: {  	(tag) =	ssettag $0x0;
	lr =	simm.s32 $0x1  }
0x2: {  	[smem:$0x3F9F] =	sst lr;
	_ =	strace $0xD0000000  }
0x3: {  	_ = 	snop  }
0x4: {  	_ = 	snop  }
0x5: {  	_ = 	snop  }
0x6: {  	_ = 	snop  }
0x7: {  	_ = 	snop  }
__scs_overlays_trampoline_lowered:
0x8: {  	[smem:$0x3FAE] =	sst s0  }
0x9: {  	[smem:$0x3FAF] =	sst s1  }
0xa: {  	[smem:$0x3FB0] =	sst s2  }
0xb: {  	[smem:$0x3FB1] =	sst s3  }
0xc: {  	[smem:$0x3FB2] =	sst s4  }
0xd: {  	[smem:$0x3FB3] =	sst s5  }
0xe: {  	[smem:$0x3FB4] =	sst s6  }
0xf: {  	[smem:$0x3FB5] =	sst s7  }
0x10: {  	[smem:$0x3FB6] =	sst s8  }
0x11: {  	[smem:$0x3FB7] =	sst s9;
	s0 =	simm.s32 @!p0 $0x0  }
0x12: {  	s1 =	sld [smem:$0x3F9D];
	s0 =	simm.s32 @p0 $0x1  }
0x13: {  	[smem:$0x3FB8] =	sst s0;
	s0 =	simm.s32 @!p1 $0x0  }
0x14: {  	s2 =	sld [smem:$0x3F9C];
	s0 =	simm.s32 @p1 $0x1  }
0x15: {  	[smem:$0x3FB9] =	sst s0;
	s0 =	simm.s32 @!p2 $0x0  }
0x16: {  	s3 =	sld [smem:$0x3FDB];
	s0 =	simm.s32 @p2 $0x1  }
0x17: {  	s4 =	simm.s32 $0x1BF5;
	[smem:$0x3FBB] =	sst s0  }
0x18: {  	s0 =	sld [smem:$0x3F9E];
	_ =	swait.ge [sflag:s4], $0x0  }
0x19: {  	s7 =	sld [smem:$0x3F9F]  }
0x1a: {  	s8 =	sadd.s32 $0xFFFFE003, lr  }
0x1b: {  	s9 =	sadd.s32 $0xFFFFFEF7, lr;
	s5 =	simm.s32 $0xFFFFFFFF;
	p2 =	slt.u32 s8, $0xFFFFF086  }
0x1c: {  	p1 =	slt.u32 s9, $0xF7A;
	s5 =	simm.s32 @!p2 $0x0  }
0x1d: {  	s5 =	simm.s32 @p1 $0x1;
	p0 =	seq.s32 s7, s2  }
0x1e: {  	s7 =	smul.u32 @!p0 $0xF7A, s2;
	p2 =	seq.s32 @!p0 s5, $0x0  }
0x1f: {  	s9 =	smul.u32 $0xF7A, s1;
	s8 =	simm.s32 @!p0 $0x1BF5;
	p2 =	por !p2, p0  }
0x20: {  	[sflag:s8] =	ssyncset.s32 @!p0 $0xFFFFF086;
	s6 =	sadd.s32 @!p0 s3, s7;
	s7 =	simm.s32 @!p0 $0x108  }
0x21: {  	s3 =	sadd.s32 s3, s9;
	s6 =	sadd.s32 @!p0 $0x88, s6;
	s7 =	simm.s32 @p2 $0x1082  }
0x22: {  	[simem:s7], [sflag:s8] =	dma.local @!p0 [hbm:s6], $0xF7A  }
0x23: {  	s9 =	sor.u32 $0xD0000000, s2;
	s6 =	simm.s32 $0x108;
	_ =	swait.ge @!p0 [sflag:s8], $0x0  }
0x24: {  	s3 =	sadd.s32 $0x88, s3;
	s6 =	simm.s32 @!p1 $0x1082;
	[sflag:s4] =	ssyncset.s32 $0xFFFFF086  }
0x25: {  	[simem:s6], [sflag:s4] =	dma.local [hbm:s3], $0xF7A  }
0x26: {  	[smem:$0x3F9F] =	sst s1;
	(tag) =	ssettag s2;
	_ =	strace s9  }
0x27: {  	s1 =	sld [smem:$0x3FAF]  }
0x28: {  	s2 =	sld [smem:$0x3FB0]  }
0x29: {  	s4 =	sld [smem:$0x3FB2]  }
0x2a: {  	p0 =	seq.s32 s5, $0x0;
	s5 =	sld [smem:$0x3FB3]  }
0x2b: {  	s6 =	sld [smem:$0x3FB4]  }
0x2c: {  	s7 =	sld [smem:$0x3FB5]  }
0x2d: {  	s3 =	simm.s32 $0x108;
	s8 =	sld [smem:$0x3FB6]  }
0x2e: {  	s3 =	simm.s32 @!p0 $0x1082;
	s9 =	sld [smem:$0x3FB7]  }
0x2f: {  	lr =	sadd.s32 s0, s3;
	s0 =	sld [smem:$0x3FAE]  }
0x30: {  	s3 =	sld [smem:$0x3FB1]  }
0x31: {  	[smem:$0x3FBA] =	sst s10  }
0x32: {  	s10 =	sld [smem:$0x3FB8];
	_ =	sdelay $0x3  }
0x33: {  	p0 =	seq.s32 s10, $0x1;
	s10 =	sld [smem:$0x3FBA];
	_ =	sdelay $0x3  }
0x34: {  	[smem:$0x3FBA] =	sst s10  }
0x35: {  	s10 =	sld [smem:$0x3FB9];
	_ =	sdelay $0x3  }
0x36: {  	p1 =	seq.s32 s10, $0x1;
	s10 =	sld [smem:$0x3FBA];
	_ =	sdelay $0x3  }
0x37: {  	[smem:$0x3FBA] =	sst s10  }
0x38: {  	s10 =	sld [smem:$0x3FBB]  }
0x39: {  	_ = 	snop;
	(pc) =	sbr.ind lr, $3  }
0x3a: {  	_ = 	snop  }
0x3b: {  	_ = 	snop  }
0x3c: {  	p2 =	seq.s32 s10, $0x1;
	s10 =	sld [smem:$0x3FBA]  }
0x3d: {  	_ =	shalt  }
0x3e: {  	_ =	shalt  }
0x3f: {  	_ =	shalt  }
0x40: {  	_ =	shalt  }
0x41: {  	_ =	shalt  }
0x42: {  	_ =	shalt  }
0x43: {  	_ =	shalt  }
0x44: {  	_ =	shalt  }
0x45: {  	_ =	shalt  }
0x46: {  	_ =	shalt  }
0x47: {  	_ =	shalt  }
0x48: {  	_ =	shalt  }
0x49: {  	_ =	shalt  }
0x4a: {  	_ =	shalt  }
0x4b: {  	_ =	shalt  }
0x4c: {  	_ =	shalt  }
0x4d: {  	_ =	shalt  }
0x4e: {  	_ =	shalt  }
0x4f: {  	_ =	shalt  }
0x50: {  	_ =	shalt  }
0x51: {  	_ =	shalt  }
0x52: {  	_ =	shalt  }
0x53: {  	_ =	shalt  }
0x54: {  	_ =	shalt  }
0x55: {  	_ =	shalt  }
0x56: {  	_ =	shalt  }
0x57: {  	_ =	shalt  }
0x58: {  	_ =	shalt  }
0x59: {  	_ =	shalt  }
0x5a: {  	_ =	shalt  }
0x5b: {  	_ =	shalt  }
0x5c: {  	_ =	shalt  }
0x5d: {  	_ =	shalt  }
0x5e: {  	_ =	shalt  }
0x5f: {  	_ =	shalt  }
0x60: {  	_ =	shalt  }
0x61: {  	_ =	shalt  }
0x62: {  	_ =	shalt  }
0x63: {  	_ =	shalt  }
0x64: {  	_ =	shalt  }
0x65: {  	_ =	shalt  }
0x66: {  	_ =	shalt  }
0x67: {  	_ =	shalt  }
0x68: {  	_ =	shalt  }
0x69: {  	_ =	shalt  }
0x6a: {  	_ =	shalt  }
0x6b: {  	_ =	shalt  }
0x6c: {  	_ =	shalt  }
0x6d: {  	_ =	shalt  }
0x6e: {  	_ =	shalt  }
0x6f: {  	_ =	shalt  }
0x70: {  	_ =	shalt  }
0x71: {  	_ =	shalt  }
0x72: {  	_ =	shalt  }
0x73: {  	_ =	shalt  }
0x74: {  	_ =	shalt  }
0x75: {  	_ =	shalt  }
0x76: {  	_ =	shalt  }
0x77: {  	_ =	shalt  }
0x78: {  	_ =	shalt  }
0x79: {  	_ =	shalt  }
0x7a: {  	_ =	shalt  }
0x7b: {  	_ =	shalt  }
0x7c: {  	_ =	shalt  }
0x7d: {  	_ =	shalt  }
0x7e: {  	_ =	shalt  }
0x7f: {  	_ =	shalt  }
0x80: {  	_ =	shalt  }
0x81: {  	_ =	shalt  }
0x82: {  	_ =	shalt  }
0x83: {  	_ =	shalt  }
0x84: {  	_ =	shalt  }
0x85: {  	_ =	shalt  }
0x86: {  	_ =	shalt  }
0x87: {  	_ =	shalt  }
.Lfunc_end0:
.L_simem_size_0:
called_computation_lowered:
.L_overlay_start_0:
0x88: {  	s2 =	sld [smem:$0x3FD9]  }
0x89: {  	s3 =	sld [smem:$0x3FFE];
	_ =	sdelay $0x1  }
0x8a: {  	s1 =	srdreg.scid  }
0x8b: {  	s0 =	sand.u32 $0x1, s1  }
0x8c: {  	s16 =	sshll.u32 s0, $0xA;
	s2 =	sadd.s32 s3, s2  }
0x8d: {  	s2 =	sadd.s32 s2, s16  }
0x8e: {  	[smem:$0x3FC6] =	sst s2  }
0x8f: {  	_ = 	snop  }
0x90: {  	(tm) =	ssettm $0x1  }
0x91: {  	s17 =	sld [smem:$0x3FFB];
	_ =	sdelay $0x3  }
0x92: {  	_ =	strace s17  }
0x93: {  	s2 =	sld [smem:$0x3FFC];
	_ =	sdelay $0x3  }
0x94: {  	_ =	strace s2  }
0x95: {  	s2 =	sld [smem:$0x3FFD];
	_ =	sdelay $0x3  }
0x96: {  	_ =	strace s2  }
0x97: {  	_ =	strace $0x8FFFFFFF  }
0x98: {  	s18 =	sld [smem:$0x3FDB];
	_ =	sdelay $0x1  }
0x99: {  	s19 =	simm.s32 $_scs_section_size  }
0x9a: {  	s4 =	simm.s32 $_size__tile_overlayer_lowered;
	s5 =	simm.s32 $_tile_overlayer_lowered  }
0x9b: {  	s22 =	simm.s32 $0x1BFF;
	s21 =	sshll.u32 s5, $0x1;
	s2 =	sadd.s32 s19, s18  }
0x9c: {  	s6 =	simm.s32 $0x0;
	s20 =	sshll.u32 s4, $0x1;
	s4 =	sadd.s32 s21, s2  }
0x9d: {  	[timem:s6], [sflag:s22] =	dma.local [hbm:s4], s20  }
0x9e: {  	_ =	swait.ge [sflag:s22], s20  }
0x9f: {  	s3 =	ssub.s32 $0x0, s20;
	[sflag:s22] =	ssyncset.done $0x0  }
0xa0: {  	[sflag:s22] =	ssyncadd.s32 s3;
	_ =	sdelay $0x1  }
0xa1: {  	s23 =	simm.s32 $0x1B8B  }
0xa2: {  	_ =	swait.ge [sflag:s23], $0x1  }
0xa3: {  	[sflag:s23] =	ssyncset.done $0x0  }
0xa4: {  	s25 =	simm.s32 $0x1B8E;
	s24 =	sld [smem:$0x3FFE];
	[sflag:s23] =	ssyncadd.s32 $0xFFFFFFFF  }
0xa5: {  	s26 =	simm.s32 $execute0_lowered;
	[smem:$0x3FD2] =	sst s25  }
0xa6: {  	s4 =	sshll.u32 s26, $0x1;
	_ =	strace $0x80000046;
	[dreg:$0x1] =	wrdreg $0xFFFFFFFF  }
0xa7: {  	s28 =	simm.s32 $_size_execute0_lowered;
	s2 =	sadd.s32 s2, s4;
	[dreg:$0x0] =	wrdreg $0x0  }
0xa8: {  	s4 =	sshll.u32 s28, $0x1;
	[dreg:$0x2] =	wrdreg s2  }
0xa9: {  	[dreg:$0x3] =	wrdreg s4  }
0xaa: {  	[dreg:$0x4] =	wrdreg $0xC0  }
0xab: {  	_ =	task [dreg:s6], $0x5FFFF  }
0xac: {  	[dreg:$0x1] =	wrdreg $0xFFFFFFFF  }
0xad: {  	[dreg:$0x0] =	wrdreg $0x60  }
0xae: {  	[dreg:$0x2] =	wrdreg s24  }
0xaf: {  	[dreg:$0x3] =	wrdreg $0x9  }
0xb0: {  	_ =	task.clear_ibuf [dreg:s6], $0x4FFFF;
	_ =	strace $0x90000046  }
0xb1: {  	s29 =	simm.s32 $0x9;
	_ =	strace $0x80000048  }
0xb2: {  	_ =	swait.ge [sflag:s29], $0x1  }
0xb3: {  	[sflag:s29] =	ssyncadd.s32 $0xFFFFFFFF  }
0xb4: {  	_ =	strace $0x90000048  }
0xb5: {  	_ =	sfence  }
0xb6: {  	s30 =	sld [smem:$0x0];
	_ =	sdelay $0x2  }
0xb7: {  	s31 =	sshll.u32 s1, $0xD;
	s1 =	sshrl.u32 s1, $0x2  }
0xb8: {  	s3 =	sand.u32 $0x4000, s31;
	s1 =	sadd.s32 s1, s30  }
0xb9: {  	s0 =	sor.u32 s3, s0;
	s1 =	sshll.u32 s1, $0x11  }
0xba: {  	s0 =	sor.u32 s1, s0  }
0xbb: {  	s0 =	sadd.s32 $0x8F2B, s0  }
0xbc: {  	[sflag:s0] =	ssyncadd.remote.s32 $0x1  }
0xbd: {  	_ =	sfence.sel $0xFFFF  }
0xbe: {  	[dreg:$0x0] =	wrdreg $0xFFFFFFFF;
	(pc) =	sbr.abs _section_cstart, $3  }
0xbf: {  	[dreg:$0x1] =	wrdreg $0xFFFFFFFF  }
0xc0: {  	_ =	task.clear_ibuf [dreg:s6], $0x2FFFF;
	_ =	strace $0x9FFFFFFF  }
0xc1: {  	(tm) =	ssettm $0x7FFFFFFF  }
tec
execute0_lowered:
.L_overlay_start_1:
0x0: {  	(tag) =	ssettag $0x1  }
0x1: {  	s0 =	rddreg [dreg:$0x0];
	s2 =	simm.s32 $0x0;
	s1 =	srdreg.scid  }
0x2: {  	s3 =	stileid.u32;
	s7 =	simm.s32 $0x3;
	s11 =	simm.s32 $0x1  }
0x3: {  	s13 =	simm.s32 $0x1000;
	s14 =	simm.s32 $0x1800;
	s15 =	simm.s32 $0x2000  }
0x4: {  	s16 =	simm.s32 $0x2800;
	s1 =	sand.u32 $0x1, s1;
	s3 =	sshll.u32 s3, $0x1  }
0x5: {  	s17 =	simm.s32 $0x3000;
	[smem:$0x7FF] =	sst s2;
	s3 =	sor.u32 s1, s3  }
0x6: {  	_ =	strace $0x80000047;
	s1 =	ssub.s32 $0x2, s1;
	s4 =	sshll.u32 s3, $0x8  }
0x7: {  	s5 =	smul.u32 $0x300, s3;
	s6 =	sshrl.u32 s1, $0x1;
	s4 =	sadd.s32 s4, s0  }
0x8: {  	s3 =	sadd.s32 $0x2800, s0;
	s1 =	ssub.s32 s1, s6;
	s4 =	sadd.s32 $0x800, s4  }
0x9: {  	v2 =	vlaneseq.u32;
	s0 =	sadd.s32 s5, s0;
	s31 =	smax.u32 s1, $0x1;
	[dreg:$0x2] =	wrdreg s4  }
0xa: {  	vm0 =	vmmov $0xffff;
	s18 =	simm.s32 $0x2;
	v1 =	vshrl.u32 v2, $0x3;
	s0 =	sadd.s32 $0x9A00, s0;
	[dreg:$0x4] =	wrdreg s31  }
0xb: {  	s19 =	simm.s32 $0x0;
	v0 =	vand.u32 $0x7, v2;
	v2 =	vor.u32 $0x8, v2;
	v1 =	vmul.u32 $0x8, v1;
	s1 =	simm.s32 $0x3800;
	[dreg:$0x3] =	wrdreg s0  }
.LBB2_1:
0xc: {  	s0 =	rddreg [dreg:$0x2]  }
0xd: {  	[tilespmem:s2], [sflag:$0x3] =	stream.linear.gather [hbm4b:s0+s2], $0x480, $0x38;
	[tilespmem:$0x5000] =	vst v63  }
0xe: {  	_ =	swait.ge [sflag:s7], $0x480  }
0xf: {  	[sflag:s7] =	ssyncset.done $0x0  }
0x10: {  	[sflag:s7] =	ssyncadd.s32 $0xFFFFFB80  }
0x11: {  	v3 =	vld [tilespmem:$0x0];
	_ =	sdelay $0x4  }
0x12: {  	v4 =	vshll.u32 v3, $0x1  }
0x13: {  	v3 =	vand.u32 $0x7, v3;
	v4 =	vand.u32 $0xFFFFFFF0, v4  }
0x14: {  	v3 =	vor.u32 v3, v4  }
0x15: {  	v4 =	vperm.xlane v3, v0;
	_ =	sdelay $0x1  }
0x16: {  	v3 =	vperm.xlane v3, v2;
	v4 =	vadd.s32 v1, v4;
	_ =	sdelay $0x1  }
0x17: {  	v3 =	vadd.s32 v1, v3;
	_ =	sdelay $0x2  }
0x18: {  	[tilespmem:s1], [sflag:$0x1] =	stream.indirect_vreg.gather [hbm4b:s3+s2], $0x80, v4, vm0, $0xb8;
	[tilespmem:$0x5000] =	vst v63  }
0x19: {  	s29 =	simm.s32 $0x4000  }
0x1a: {  	[tilespmem:s29], [sflag:$0x1] =	stream.indirect_vreg.gather [hbm4b:s3+s2], $0x80, v3, vm0, $0xb8;
	[tilespmem:$0x5000] =	vst v63  }
0x1b: {  	v3 =	vld.msk [tilespmem:$0x10], $0xff;
	_ =	sdelay $0x4  }
0x1c: {  	v59 =	vshll.u32 v3, $0x1  }
0x1d: {  	v3 =	vand.u32 $0x7, v3;
	v4 =	vand.u32 $0xFFFFFFF0, v59  }
0x1e: {  	v3 =	vor.u32 v3, v4  }
0x1f: {  	v3 =	vperm.xlane v3, v0;
	_ =	sdelay $0x1  }
0x20: {  	v3 =	vadd.s32 v1, v3;
	_ =	sdelay $0x3  }
0x21: {  	s30 =	simm.s32 $0x4800  }
0x22: {  	[tilespmem:s30], [sflag:$0x1] =	stream.indirect_vreg.gather [hbm4b:s3+s2], $0x80, v3, vm0, $0xb8;
	[tilespmem:$0x5000] =	vst v63  }
0x23: {  	_ =	swait.ge [sflag:s11], $0x1800  }
0x24: {  	[sflag:s11] =	ssyncset.done $0x0  }
0x25: {  	[sflag:s11] =	ssyncadd.s32 $0xFFFFE800  }
0x26: {  	v3 =	vld [tilespmem:$0x80];
	_ =	sdelay $0x4  }
0x27: {  	v60 =	vshll.u32 v3, $0x1  }
0x28: {  	v3 =	vand.u32 $0x7, v3;
	v4 =	vand.u32 $0xFFFFFFF0, v60  }
0x29: {  	v3 =	vor.u32 v3, v4  }
0x2a: {  	v4 =	vperm.xlane v3, v0;
	_ =	sdelay $0x1  }
0x2b: {  	v3 =	vperm.xlane v3, v2;
	v4 =	vadd.s32 v1, v4;
	_ =	sdelay $0x1  }
0x2c: {  	v3 =	vadd.s32 v1, v3;
	_ =	sdelay $0x1  }
0x2d: {  	s31 =	simm.s32 $0x800  }
0x2e: {  	[tilespmem:s31], [sflag:$0x1] =	stream.indirect_vreg.gather [hbm4b:s3+s2], $0x80, v4, vm0, $0xb8;
	[tilespmem:$0x5000] =	vst v63  }
0x2f: {  	_ = 	snop  }
0x30: {  	[tilespmem:s13], [sflag:$0x1] =	stream.indirect_vreg.gather [hbm4b:s3+s2], $0x80, v3, vm0, $0xb8;
	[tilespmem:$0x5000] =	vst v63  }
0x31: {  	v3 =	vld.msk [tilespmem:$0x90], $0xff;
	_ =	sdelay $0x4  }
0x32: {  	v61 =	vshll.u32 v3, $0x1  }
0x33: {  	v3 =	vand.u32 $0x7, v3;
	v4 =	vand.u32 $0xFFFFFFF0, v61  }
0x34: {  	v3 =	vor.u32 v3, v4  }
0x35: {  	v3 =	vperm.xlane v3, v0;
	_ =	sdelay $0x1  }
0x36: {  	v3 =	vadd.s32 v1, v3;
	_ =	sdelay $0x4  }
0x37: {  	[tilespmem:s14], [sflag:$0x1] =	stream.indirect_vreg.gather [hbm4b:s3+s2], $0x80, v3, vm0, $0xb8;
	[tilespmem:$0x5000] =	vst v63  }
0x38: {  	v3 =	vld [tilespmem:$0x100];
	_ =	sdelay $0x4  }
0x39: {  	v62 =	vshll.u32 v3, $0x1  }
0x3a: {  	v3 =	vand.u32 $0x7, v3;
	v4 =	vand.u32 $0xFFFFFFF0, v62  }
0x3b: {  	v3 =	vor.u32 v3, v4  }
0x3c: {  	v4 =	vperm.xlane v3, v0;
	_ =	sdelay $0x1  }
0x3d: {  	v3 =	vperm.xlane v3, v2;
	v4 =	vadd.s32 v1, v4;
	_ =	sdelay $0x1  }
0x3e: {  	v3 =	vadd.s32 v1, v3;
	_ =	sdelay $0x2  }
0x3f: {  	[tilespmem:s15], [sflag:$0x2] =	stream.indirect_vreg.gather [hbm4b:s3+s2], $0x80, v4, vm0, $0xb8;
	[tilespmem:$0x5000] =	vst v63  }
0x40: {  	_ = 	snop  }
0x41: {  	[tilespmem:s16], [sflag:$0x2] =	stream.indirect_vreg.gather [hbm4b:s3+s2], $0x80, v3, vm0, $0xb8;
	[tilespmem:$0x5000] =	vst v63  }
0x42: {  	v3 =	vld.msk [tilespmem:$0x110], $0xff;
	_ =	sdelay $0x4  }
0x43: {  	v63 =	vshll.u32 v3, $0x1  }
0x44: {  	v3 =	vand.u32 $0x7, v3;
	v4 =	vand.u32 $0xFFFFFFF0, v63  }
0x45: {  	v3 =	vor.u32 v3, v4  }
0x46: {  	v3 =	vperm.xlane v3, v0;
	_ =	sdelay $0x1  }
0x47: {  	v3 =	vadd.s32 v1, v3;
	_ =	sdelay $0x4  }
0x48: {  	[tilespmem:s17], [sflag:$0x2] =	stream.indirect_vreg.gather [hbm4b:s3+s2], $0x80, v3, vm0, $0xb8;
	[tilespmem:$0x5000] =	vst v63  }
0x49: {  	_ =	swait.ge [sflag:s11], $0x1800  }
0x4a: {  	[sflag:s11] =	ssyncset.done $0x0  }
0x4b: {  	s20 =	simm.s32 $0x0;
	[sflag:s11] =	ssyncadd.s32 $0xFFFFE800  }
.LBB2_2:
0x4c: {  	s0 =	sshll.u32 s20, $0x8;
	s1 =	sshll.u32 s20, $0x7  }
0x4d: {  	s22 =	simm.s32 $0x0;
	s9 =	simm.s32 $0x0;
	s0 =	sand.u32 $0x1800, s0  }
0x4e: {  	s1 =	sand.u32 $0x200, s1;
	s9 =	sand.u32 $0x40, s9;
	s23 =	sand.u32 $0x400, s22  }
0x4f: {  	s21 =	sor.u32 s1, s0;
	s29 =	sor.u32 s23, s9  }
0x50: {  	s24 =	sor.u32 s21, s29  }
0x51: {  	s25 =	simm.s32 $0x40;
	s26 =	simm.s32 $0x200;
	v3 =	vld [tilespmem:s24+$0x830]  }
0x52: {  	s30 =	sand.u32 $0x40, s25;
	s31 =	sand.u32 $0x400, s26;
	v4 =	vld [tilespmem:s24+$0x800]  }
0x53: {  	s0 =	sor.u32 s31, s30;
	v6 =	vld [tilespmem:s24+$0x810]  }
0x54: {  	s0 =	sor.u32 s21, s0;
	v5 =	vld [tilespmem:s24+$0x820]  }
0x55: {  	v7 =	vld [tilespmem:s0+$0x830]  }
0x56: {  	[tilespmem:s24+$0x3830] =	vst.add.f32.msk $0xffff, v3  }
0x57: {  	[tilespmem:s24+$0x3800] =	vst.add.f32.msk $0xffff, v4  }
0x58: {  	[tilespmem:s24+$0x3810] =	vst.add.f32.msk $0xffff, v6  }
0x59: {  	v6 =	vld [tilespmem:s0+$0x800]  }
0x5a: {  	v4 =	vld [tilespmem:s0+$0x810]  }
0x5b: {  	v3 =	vld [tilespmem:s0+$0x820]  }
.LBB2_3:
0x5c: {  	s25 =	sadd.s32 $0x40, s25;
	s26 =	sadd.s32 $0x200, s26;
	[tilespmem:s24+$0x3820] =	vst.add.f32.msk $0xffff, v5;
	s24 =	smov.u32 s0  }
0x5d: {  	s0 =	sand.u32 $0x40, s25;
	s1 =	sand.u32 $0x400, s26;
	p0 =	slt.u32 s25, $0xC0;
	[tilespmem:s24+$0x3830] =	vst.add.f32.msk $0xffff, v7  }
0x5e: {  	s0 =	sor.u32 s1, s0;
	[tilespmem:s24+$0x3800] =	vst.add.f32.msk $0xffff, v6  }
.Ltmp0:
0x5f: {  	s0 =	sor.u32 s21, s0;
	[tilespmem:s24+$0x3810] =	vst.add.f32.msk $0xffff, v4;
	(pc) =	sbr.rel @p0 .LBB2_3-.Ltmp0, $4  }
0x60: {  	v7 =	vld [tilespmem:s0+$0x830];
	v5 =	vmov v3  }
0x61: {  	v6 =	vld [tilespmem:s0+$0x800]  }
0x62: {  	v4 =	vld [tilespmem:s0+$0x810]  }
0x63: {  	v3 =	vld [tilespmem:s0+$0x820]  }
0x64: {  	[tilespmem:s24+$0x3820] =	vst.add.f32.msk $0xffff, v5  }
0x65: {  	s1 =	sor.u32 s21, s23;
	[tilespmem:s0+$0x3830] =	vst.add.f32.msk $0xffff, v7  }
0x66: {  	s1 =	sor.u32 s22, s1;
	[tilespmem:s0+$0x3800] =	vst.add.f32.msk $0xffff, v6  }
0x67: {  	s9 =	sor.u32 $0xB0, s1;
	[tilespmem:s0+$0x3810] =	vst.add.f32.msk $0xffff, v4  }
0x68: {  	s28 =	sor.u32 $0x80, s1;
	v5 =	vld [tilespmem:s9+$0x800]  }
0x69: {  	s29 =	sor.u32 $0x90, s1;
	v6 =	vld [tilespmem:s28+$0x800]  }
0x6a: {  	s22 =	sor.u32 $0xA0, s1;
	v7 =	vld [tilespmem:s29+$0x800]  }
0x6b: {  	s30 =	simm.s32 $0x200;
	v4 =	vld [tilespmem:s22+$0x800]  }
0x6c: {  	[tilespmem:s0+$0x3820] =	vst.add.f32.msk $0xffff, v3;
	s0 =	sand.u32 $0x400, s30  }
0x6d: {  	s31 =	simm.s32 $0x40;
	s0 =	sor.u32 s21, s0;
	[tilespmem:s9+$0x3800] =	vst.add.f32.msk $0xffff, v5  }
0x6e: {  	s0 =	sor.u32 s31, s0;
	[tilespmem:s28+$0x3800] =	vst.add.f32.msk $0xffff, v6  }
0x6f: {  	s25 =	sor.u32 $0xB0, s0;
	[tilespmem:s29+$0x3800] =	vst.add.f32.msk $0xffff, v7  }
0x70: {  	s24 =	sor.u32 $0x80, s0;
	v7 =	vld [tilespmem:s25+$0x800]  }
0x71: {  	s23 =	sor.u32 $0x90, s0;
	v6 =	vld [tilespmem:s24+$0x800]  }
0x72: {  	s0 =	sor.u32 $0xA0, s0;
	v5 =	vld [tilespmem:s23+$0x800]  }
0x73: {  	s1 =	simm.s32 $0x80;
	v3 =	vld [tilespmem:s0+$0x800];
	s9 =	simm.s32 $0x400  }
.LBB2_5:
0x74: {  	s26 =	sand.u32 $0x400, s9  }
0x75: {  	p0 =	slt.u32 s1, $0xC0;
	[tilespmem:s22+$0x3800] =	vst.add.f32.msk $0xffff, v4;
	s22 =	smov.u32 s0;
	s0 =	sor.u32 s21, s26  }
0x76: {  	[tilespmem:s25+$0x3800] =	vst.add.f32.msk $0xffff, v7;
	s0 =	sor.u32 s1, s0  }
0x77: {  	[tilespmem:s24+$0x3800] =	vst.add.f32.msk $0xffff, v6;
	s24 =	sor.u32 $0x80, s0  }
.Ltmp1:
0x78: {  	s25 =	sor.u32 $0xB0, s0;
	[tilespmem:s23+$0x3800] =	vst.add.f32.msk $0xffff, v5;
	s23 =	sor.u32 $0x90, s0;
	(pc) =	sbr.rel @p0 .LBB2_5-.Ltmp1, $4  }
0x79: {  	s0 =	sor.u32 $0xA0, s0;
	v7 =	vld [tilespmem:s25+$0x800];
	v4 =	vmov v3  }
0x7a: {  	v6 =	vld [tilespmem:s24+$0x800]  }
0x7b: {  	v5 =	vld [tilespmem:s23+$0x800]  }
0x7c: {  	s9 =	sadd.s32 $0x200, s9;
	s1 =	sadd.s32 $0x40, s1;
	v3 =	vld [tilespmem:s0+$0x800]  }
0x7d: {  	_ = 	snop  }
0x7e: {  	[tilespmem:s22+$0x3800] =	vst.add.f32.msk $0xffff, v4;
	s22 =	simm.s32 $0x0;
	s1 =	simm.s32 $0x0  }
0x7f: {  	s1 =	sand.u32 $0x40, s1;
	[tilespmem:s24+$0x3800] =	vst.add.f32.msk $0xffff, v6;
	s24 =	sand.u32 $0x400, s22  }
0x80: {  	[tilespmem:s25+$0x3800] =	vst.add.f32.msk $0xffff, v7;
	s1 =	sor.u32 s24, s1  }
0x81: {  	p1 =	por $0x1, $0x1;
	[tilespmem:s23+$0x3800] =	vst.add.f32.msk $0xffff, v5;
	s25 =	sor.u32 s21, s1  }
.Ltmp2:
0x82: {  	v6 =	vld [tilespmem:s25+$0x920];
	(pc) =	sbr.rel @!p1 .LBB2_7-.Ltmp2, $4  }
0x83: {  	[tilespmem:s0+$0x3800] =	vst.add.f32.msk $0xffff, v3  }
0x84: {  	v5 =	vld [tilespmem:s25+$0x930]  }
0x85: {  	v4 =	vld [tilespmem:s25+$0x900]  }
0x86: {  	p0 =	por $0x0, $0x0;
	s23 =	simm.s32 $0x200;
	v3 =	vld [tilespmem:s25+$0x910]  }
0x87: {  	_ = 	snop  }
0x88: {  	s26 =	simm.s32 $0x40  }
0x89: {  	s1 =	sand.u32 $0x400, s23;
	s0 =	sand.u32 $0x40, s26;
	[tilespmem:s25+$0x3930] =	vst.add.f32.msk $0xffff, v5  }
0x8a: {  	p2 =	por $0x1, $0x1;
	s0 =	sor.u32 s1, s0;
	[tilespmem:s25+$0x3900] =	vst.add.f32.msk $0xffff, v4  }
.Ltmp3:
0x8b: {  	s0 =	sor.u32 s21, s0;
	[tilespmem:s25+$0x3910] =	vst.add.f32.msk $0xffff, v3;
	(pc) =	sbr.rel @!p2 .LBB2_9-.Ltmp3, $4  }
0x8c: {  	v5 =	vld [tilespmem:s0+$0x930]  }
0x8d: {  	v4 =	vld [tilespmem:s0+$0x900]  }
0x8e: {  	v3 =	vld [tilespmem:s0+$0x910]  }
0x8f: {  	p1 =	por $0x1, $0x1;
	s1 =	simm.s32 $0x200;
	v7 =	vld [tilespmem:s0+$0x920]  }
.LBB2_10:
0x90: {  	s26 =	sadd.s32 $0x40, s26;
	s1 =	sadd.s32 $0x200, s1;
	[tilespmem:s25+$0x3920] =	vst.add.f32.msk $0xffff, v6;
	s25 =	smov.u32 s0  }
0x91: {  	s0 =	sand.u32 $0x40, s26;
	s9 =	sand.u32 $0x400, s1;
	p2 =	slt.u32 s26, $0xC0;
	[tilespmem:s25+$0x3930] =	vst.add.f32.msk $0xffff, v5  }
0x92: {  	s0 =	sor.u32 s9, s0;
	[tilespmem:s25+$0x3900] =	vst.add.f32.msk $0xffff, v4  }
.Ltmp4:
0x93: {  	s0 =	sor.u32 s21, s0;
	[tilespmem:s25+$0x3910] =	vst.add.f32.msk $0xffff, v3;
	(pc) =	sbr.rel @p2 .LBB2_10-.Ltmp4, $4  }
0x94: {  	v5 =	vld [tilespmem:s0+$0x930];
	v6 =	vmov v7  }
0x95: {  	v4 =	vld [tilespmem:s0+$0x900]  }
0x96: {  	v3 =	vld [tilespmem:s0+$0x910]  }
0x97: {  	v7 =	vld [tilespmem:s0+$0x920]  }
0x98: {  	_ =	sdelay $0x3  }
0x99: {  	v8 =	vmov v6;
	s1 =	smov.u32 s25;
	s25 =	smov.u32 s0;
	v6 =	vmov v7  }
.LBB2_12:
0x9a: {  	[tilespmem:s1+$0x3920] =	vst.add.f32.msk @p1 $0xffff, v8  }
0x9b: {  	[tilespmem:s25+$0x3930] =	vst.add.f32.msk $0xffff, v5  }
0x9c: {  	[tilespmem:s25+$0x3900] =	vst.add.f32.msk $0xffff, v4;
	s0 =	sor.u32 s21, s24  }
0x9d: {  	[tilespmem:s25+$0x3910] =	vst.add.f32.msk $0xffff, v3;
	p1 =	por $0x1, $0x1;
	s31 =	sor.u32 s22, s0  }
.Ltmp5:
0x9e: {  	[tilespmem:s25+$0x3920] =	vst.add.f32.msk $0xffff, v6;
	s22 =	sor.u32 $0x1A0, s31;
	(pc) =	sbr.rel @!p1 .LBB2_13-.Ltmp5, $4  }
0x9f: {  	s25 =	sor.u32 $0x1B0, s31;
	v6 =	vld [tilespmem:s22+$0x800]  }
0xa0: {  	s24 =	sor.u32 $0x180, s31;
	v3 =	vld [tilespmem:s25+$0x800]  }
0xa1: {  	s0 =	sor.u32 $0x190, s31;
	v4 =	vld [tilespmem:s24+$0x800]  }
0xa2: {  	s1 =	simm.s32 $0x40;
	v5 =	vld [tilespmem:s0+$0x800]  }
0xa3: {  	_ = 	snop  }
0xa4: {  	s9 =	sand.u32 $0x400, s23  }
0xa5: {  	s9 =	sor.u32 s21, s9;
	[tilespmem:s25+$0x3800] =	vst.add.f32.msk $0xffff, v3  }
0xa6: {  	p1 =	por $0x1, $0x1;
	s1 =	sor.u32 s1, s9;
	[tilespmem:s24+$0x3800] =	vst.add.f32.msk $0xffff, v4  }
.Ltmp6:
0xa7: {  	s25 =	sor.u32 $0x1B0, s1;
	[tilespmem:s0+$0x3800] =	vst.add.f32.msk $0xffff, v5;
	(pc) =	sbr.rel @!p1 .LBB2_15-.Ltmp6, $4  }
0xa8: {  	s24 =	sor.u32 $0x180, s1;
	v3 =	vld [tilespmem:s25+$0x800]  }
0xa9: {  	s23 =	sor.u32 $0x190, s1;
	v4 =	vld [tilespmem:s24+$0x800]  }
0xaa: {  	s9 =	sor.u32 $0x1A0, s1;
	v5 =	vld [tilespmem:s23+$0x800]  }
0xab: {  	p0 =	por $0x1, $0x1;
	s1 =	simm.s32 $0x400;
	v7 =	vld [tilespmem:s9+$0x800];
	s0 =	simm.s32 $0x80  }
.LBB2_16:
0xac: {  	s26 =	sand.u32 $0x400, s1  }
0xad: {  	p1 =	slt.u32 s0, $0xC0;
	[tilespmem:s22+$0x3800] =	vst.add.f32.msk $0xffff, v6;
	s22 =	smov.u32 s9;
	s9 =	sor.u32 s21, s26  }
0xae: {  	[tilespmem:s25+$0x3800] =	vst.add.f32.msk $0xffff, v3;
	s9 =	sor.u32 s0, s9  }
0xaf: {  	[tilespmem:s24+$0x3800] =	vst.add.f32.msk $0xffff, v4;
	s24 =	sor.u32 $0x180, s9  }
.Ltmp7:
0xb0: {  	s25 =	sor.u32 $0x1B0, s9;
	[tilespmem:s23+$0x3800] =	vst.add.f32.msk $0xffff, v5;
	s23 =	sor.u32 $0x190, s9;
	(pc) =	sbr.rel @p1 .LBB2_16-.Ltmp7, $4  }
0xb1: {  	s9 =	sor.u32 $0x1A0, s9;
	v3 =	vld [tilespmem:s25+$0x800];
	v6 =	vmov v7  }
0xb2: {  	v4 =	vld [tilespmem:s24+$0x800]  }
0xb3: {  	v5 =	vld [tilespmem:s23+$0x800]  }
0xb4: {  	s1 =	sadd.s32 $0x200, s1;
	s0 =	sadd.s32 $0x40, s0;
	v7 =	vld [tilespmem:s9+$0x800]  }
0xb5: {  	_ =	sdelay $0x3  }
0xb6: {  	v8 =	vmov v6;
	s1 =	smov.u32 s22;
	s22 =	smov.u32 s9;
	s0 =	smov.u32 s23;
	v6 =	vmov v7  }
.LBB2_18:
0xb7: {  	[tilespmem:s1+$0x3800] =	vst.add.f32.msk @p0 $0xffff, v8;
	p0 =	slt.u32 s20, $0x14  }
.Ltmp8:
0xb8: {  	_ = 	snop;
	(pc) =	sbr.rel @p0 .LBB2_2-.Ltmp8, $4  }
.Ltmp9:
0xb9: {  	[tilespmem:s25+$0x3800] =	vst.add.f32.msk $0xffff, v3;
	(pc) =	sbr.rel @!p0 .LBB2_19-.Ltmp9, $4  }
0xba: {  	[tilespmem:s24+$0x3800] =	vst.add.f32.msk $0xffff, v4  }
0xbb: {  	[tilespmem:s0+$0x3800] =	vst.add.f32.msk $0xffff, v5;
	s31 =	sadd.s32 $0x4, s20  }
0xbc: {  	[tilespmem:s22+$0x3800] =	vst.add.f32.msk $0xffff, v6;
	s20 =	smov.u32 s31  }
0xbd: {  	_ = 	snop  }
.LBB2_7:
.Ltmp10:
0xbe: {  	(pc) =	sbr.rel .LBB2_12-.Ltmp10, $2  }
0xbf: {  	_ =	sdelay $0x2  }
0xc0: {  	p1 =	por $0x0, $0x0  }
.LBB2_13:
.Ltmp11:
0xc1: {  	(pc) =	sbr.rel .LBB2_18-.Ltmp11, $2  }
0xc2: {  	_ =	sdelay $0x2  }
0xc3: {  	_ = 	snop  }
.LBB2_9:
.Ltmp12:
0xc4: {  	_ = 	snop;
	(pc) =	sbr.rel .LBB2_12-.Ltmp12, $2  }
0xc5: {  	_ =	sdelay $0x2  }
0xc6: {  	v8 =	vmov v6;
	s1 =	smov.u32 s25;
	s25 =	smov.u32 s0;
	v6 =	vmov v7  }
.LBB2_15:
.Ltmp13:
0xc7: {  	_ = 	snop;
	(pc) =	sbr.rel .LBB2_18-.Ltmp13, $2  }
0xc8: {  	_ =	sdelay $0x2  }
0xc9: {  	v8 =	vmov v6;
	s1 =	smov.u32 s22;
	s22 =	smov.u32 s9;
	s0 =	smov.u32 s23;
	v6 =	vmov v7  }
.LBB2_19:
0xca: {  	v3 =	vld [tilespmem:$0x180];
	_ =	sdelay $0x4  }
0xcb: {  	v4 =	vshll.u32 v3, $0x1  }
0xcc: {  	v3 =	vand.u32 $0x7, v3;
	v4 =	vand.u32 $0xFFFFFFF0, v4  }
0xcd: {  	v3 =	vor.u32 v3, v4  }
0xce: {  	v4 =	vperm.xlane v3, v0;
	_ =	sdelay $0x1  }
0xcf: {  	v3 =	vperm.xlane v3, v2;
	v4 =	vadd.s32 v1, v4;
	_ =	sdelay $0x1  }
0xd0: {  	v3 =	vadd.s32 v1, v3;
	_ =	sdelay $0x1  }
0xd1: {  	s20 =	simm.s32 $0x0;
	s0 =	simm.s32 $0x800  }
0xd2: {  	[tilespmem:s0], [sflag:$0x1] =	stream.indirect_vreg.gather [hbm4b:s3+s20], $0x80, v4, vm0, $0xb8;
	[tilespmem:$0x5000] =	vst v63  }
0xd3: {  	_ = 	snop  }
0xd4: {  	[tilespmem:s13], [sflag:$0x1] =	stream.indirect_vreg.gather [hbm4b:s3+s20], $0x80, v3, vm0, $0xb8;
	[tilespmem:$0x5000] =	vst v63  }
0xd5: {  	v3 =	vld.msk [tilespmem:$0x190], $0xff;
	_ =	sdelay $0x4  }
0xd6: {  	v63 =	vshll.u32 v3, $0x1  }
0xd7: {  	v3 =	vand.u32 $0x7, v3;
	v4 =	vand.u32 $0xFFFFFFF0, v63  }
0xd8: {  	v3 =	vor.u32 v3, v4  }
0xd9: {  	v3 =	vperm.xlane v3, v0;
	_ =	sdelay $0x1  }
0xda: {  	v3 =	vadd.s32 v1, v3;
	_ =	sdelay $0x4  }
0xdb: {  	[tilespmem:s14], [sflag:$0x1] =	stream.indirect_vreg.gather [hbm4b:s3+s20], $0x80, v3, vm0, $0xb8;
	[tilespmem:$0x5000] =	vst v63  }
0xdc: {  	_ =	swait.ge [sflag:s18], $0x1800  }
0xdd: {  	[sflag:s18] =	ssyncset.done $0x0  }
0xde: {  	s21 =	simm.s32 $0x0;
	[sflag:s18] =	ssyncadd.s32 $0xFFFFE800  }
.LBB2_20:
0xdf: {  	s0 =	sshll.u32 s21, $0x8  }
0xe0: {  	s1 =	sshll.u32 s21, $0x7;
	s0 =	sand.u32 $0x1800, s0  }
0xe1: {  	s26 =	simm.s32 $0x0;
	s24 =	sand.u32 $0x200, s1;
	s23 =	sor.u32 $0x2000, s0  }
0xe2: {  	s9 =	sand.u32 $0x400, s20;
	s1 =	sand.u32 $0x40, s26;
	s25 =	sor.u32 s24, s23  }
0xe3: {  	s29 =	sor.u32 $0x10, s1;
	s28 =	sadd.s32 s9, s25  }
0xe4: {  	s30 =	sor.u32 $0x20, s1;
	s22 =	sadd.s32 s29, s28  }
0xe5: {  	s31 =	sor.u32 $0x30, s1;
	s26 =	sadd.s32 s30, s28;
	v3 =	vld [tilespmem:s22+$0x0]  }
0xe6: {  	s4 =	sadd.s32 s31, s28;
	s22 =	sadd.s32 $0x3800, s0;
	v5 =	vld [tilespmem:s26+$0x0]  }
0xe7: {  	v6 =	vld [tilespmem:s4+$0x0];
	s26 =	sor.u32 s24, s22  }
0xe8: {  	s5 =	sadd.s32 s1, s28;
	s9 =	sadd.s32 s9, s26  }
0xe9: {  	s28 =	simm.s32 $0x40;
	v4 =	vld [tilespmem:s5+$0x0];
	s10 =	sadd.s32 s29, s9;
	s29 =	simm.s32 $0x200  }
0xea: {  	s8 =	sand.u32 $0x40, s28;
	s6 =	sadd.s32 s30, s9;
	s30 =	sand.u32 $0x400, s29;
	[tilespmem:s10+$0x0] =	vst.add.f32.msk $0xffff, v3  }
0xeb: {  	s4 =	sor.u32 $0x10, s8;
	s12 =	sadd.s32 s31, s9;
	s31 =	sadd.s32 s30, s25;
	[tilespmem:s6+$0x0] =	vst.add.f32.msk $0xffff, v5  }
0xec: {  	s5 =	sor.u32 $0x20, s8;
	[tilespmem:s12+$0x0] =	vst.add.f32.msk $0xffff, v6;
	s6 =	sadd.s32 s4, s31  }
0xed: {  	s10 =	sor.u32 $0x30, s8;
	s12 =	sadd.s32 s5, s31;
	v6 =	vld [tilespmem:s6+$0x0]  }
0xee: {  	s0 =	sadd.s32 s10, s31;
	s6 =	sadd.s32 s30, s26;
	v5 =	vld [tilespmem:s12+$0x0]  }
0xef: {  	s30 =	sadd.s32 s1, s9;
	s12 =	sadd.s32 s8, s31;
	v7 =	vld [tilespmem:s0+$0x0];
	s9 =	sadd.s32 s4, s6  }
0xf0: {  	s31 =	sadd.s32 s5, s6;
	s1 =	sadd.s32 s8, s6;
	s0 =	sadd.s32 s10, s6;
	v3 =	vld [tilespmem:s12+$0x0]  }
.LBB2_21:
0xf1: {  	s28 =	sadd.s32 $0x40, s28;
	s29 =	sadd.s32 $0x200, s29;
	[tilespmem:s30+$0x0] =	vst.add.f32.msk $0xffff, v4;
	s30 =	smov.u32 s1  }
0xf2: {  	s1 =	sand.u32 $0x40, s28;
	s4 =	sand.u32 $0x400, s29;
	p0 =	slt.u32 s28, $0xC0;
	[tilespmem:s9+$0x0] =	vst.add.f32.msk $0xffff, v6  }
0xf3: {  	s5 =	sadd.s32 s4, s25;
	s6 =	sor.u32 $0x10, s1;
	s8 =	sor.u32 $0x30, s1;
	[tilespmem:s31+$0x0] =	vst.add.f32.msk $0xffff, v5  }
.Ltmp14:
0xf4: {  	s10 =	sor.u32 $0x20, s1;
	s9 =	sadd.s32 s6, s5;
	[tilespmem:s0+$0x0] =	vst.add.f32.msk $0xffff, v7;
	(pc) =	sbr.rel @p0 .LBB2_21-.Ltmp14, $4  }
0xf5: {  	s12 =	sadd.s32 s1, s5;
	s0 =	sadd.s32 s4, s26;
	s4 =	sadd.s32 s10, s5;
	v6 =	vld [tilespmem:s9+$0x0];
	v4 =	vmov v3  }
0xf6: {  	s9 =	sadd.s32 s6, s0;
	s31 =	sadd.s32 s10, s0;
	v5 =	vld [tilespmem:s4+$0x0];
	s4 =	sadd.s32 s8, s5  }
0xf7: {  	s1 =	sadd.s32 s1, s0;
	s0 =	sadd.s32 s8, s0;
	v7 =	vld [tilespmem:s4+$0x0]  }
0xf8: {  	v3 =	vld [tilespmem:s12+$0x0]  }
0xf9: {  	[tilespmem:s30+$0x0] =	vst.add.f32.msk $0xffff, v4;
	s4 =	sor.u32 $0x80, s24;
	s5 =	simm.s32 $0x0;
	s6 =	simm.s32 $0x0  }
0xfa: {  	[tilespmem:s9+$0x0] =	vst.add.f32.msk $0xffff, v6;
	s25 =	sadd.s32 s4, s23;
	s6 =	sand.u32 $0x40, s6;
	s5 =	sand.u32 $0x400, s5  }
0xfb: {  	[tilespmem:s31+$0x0] =	vst.add.f32.msk $0xffff, v5;
	s8 =	sadd.s32 s5, s25;
	s9 =	sor.u32 $0x10, s6  }
0xfc: {  	s12 =	sor.u32 $0x30, s6;
	[tilespmem:s0+$0x0] =	vst.add.f32.msk $0xffff, v7;
	s26 =	sadd.s32 s9, s8  }
0xfd: {  	s10 =	sor.u32 $0x20, s6;
	s0 =	sadd.s32 s12, s8;
	v5 =	vld [tilespmem:s26+$0x0]  }
0xfe: {  	s26 =	sadd.s32 s10, s8;
	v7 =	vld [tilespmem:s0+$0x0]  }
0xff: {  	v6 =	vld [tilespmem:s26+$0x0];
	s26 =	sadd.s32 s4, s22  }
0x100: {  	[tilespmem:s1+$0x0] =	vst.add.f32.msk $0xffff, v3;
	s8 =	sadd.s32 s6, s8;
	s1 =	sadd.s32 s5, s26  }
0x101: {  	s28 =	simm.s32 $0x40;
	s29 =	simm.s32 $0x200;
	v4 =	vld [tilespmem:s8+$0x0];
	s9 =	sadd.s32 s9, s1  }
0x102: {  	s8 =	sand.u32 $0x400, s29;
	s5 =	sand.u32 $0x40, s28;
	s4 =	sadd.s32 s12, s1;
	[tilespmem:s9+$0x0] =	vst.add.f32.msk $0xffff, v5  }
0x103: {  	s0 =	sadd.s32 s10, s1;
	s10 =	sor.u32 $0x10, s5;
	s9 =	sadd.s32 s8, s25;
	[tilespmem:s4+$0x0] =	vst.add.f32.msk $0xffff, v7  }
0x104: {  	s12 =	sor.u32 $0x20, s5;
	[tilespmem:s0+$0x0] =	vst.add.f32.msk $0xffff, v6;
	s0 =	sadd.s32 s10, s9  }
0x105: {  	s4 =	sor.u32 $0x30, s5;
	v6 =	vld [tilespmem:s0+$0x0];
	s0 =	sadd.s32 s12, s9  }
0x106: {  	s8 =	sadd.s32 s8, s26;
	v5 =	vld [tilespmem:s0+$0x0];
	s0 =	sadd.s32 s4, s9  }
0x107: {  	s30 =	sadd.s32 s6, s1;
	s6 =	sadd.s32 s5, s9;
	s1 =	sadd.s32 s5, s8;
	v7 =	vld [tilespmem:s0+$0x0]  }
0x108: {  	s31 =	sadd.s32 s4, s8;
	v3 =	vld [tilespmem:s6+$0x0];
	s9 =	sadd.s32 s10, s8;
	s0 =	sadd.s32 s12, s8  }
.LBB2_23:
0x109: {  	s28 =	sadd.s32 $0x40, s28;
	s29 =	sadd.s32 $0x200, s29;
	[tilespmem:s30+$0x0] =	vst.add.f32.msk $0xffff, v4;
	s30 =	smov.u32 s1  }
0x10a: {  	s1 =	sand.u32 $0x40, s28;
	s4 =	sand.u32 $0x400, s29;
	p0 =	slt.u32 s28, $0xC0;
	[tilespmem:s9+$0x0] =	vst.add.f32.msk $0xffff, v6  }
0x10b: {  	s5 =	sadd.s32 s4, s25;
	s6 =	sor.u32 $0x10, s1;
	s8 =	sor.u32 $0x30, s1;
	[tilespmem:s0+$0x0] =	vst.add.f32.msk $0xffff, v5  }
.Ltmp15:
0x10c: {  	s10 =	sor.u32 $0x20, s1;
	s0 =	sadd.s32 s6, s5;
	[tilespmem:s31+$0x0] =	vst.add.f32.msk $0xffff, v7;
	(pc) =	sbr.rel @p0 .LBB2_23-.Ltmp15, $4  }
0x10d: {  	s4 =	sadd.s32 s4, s26;
	s12 =	sadd.s32 s1, s5;
	v6 =	vld [tilespmem:s0+$0x0];
	s0 =	sadd.s32 s10, s5;
	v4 =	vmov v3  }
0x10e: {  	s9 =	sadd.s32 s6, s4;
	s5 =	sadd.s32 s8, s5;
	v5 =	vld [tilespmem:s0+$0x0];
	s0 =	sadd.s32 s10, s4  }
0x10f: {  	s1 =	sadd.s32 s1, s4;
	s31 =	sadd.s32 s8, s4;
	v7 =	vld [tilespmem:s5+$0x0]  }
0x110: {  	v3 =	vld [tilespmem:s12+$0x0]  }
0x111: {  	[tilespmem:s30+$0x0] =	vst.add.f32.msk $0xffff, v4;
	s4 =	sor.u32 $0x100, s24;
	s5 =	simm.s32 $0x0;
	s6 =	simm.s32 $0x0  }
0x112: {  	[tilespmem:s9+$0x0] =	vst.add.f32.msk $0xffff, v6;
	s25 =	sadd.s32 s4, s23;
	s6 =	sand.u32 $0x40, s6;
	s5 =	sand.u32 $0x400, s5  }
0x113: {  	[tilespmem:s0+$0x0] =	vst.add.f32.msk $0xffff, v5;
	s0 =	sadd.s32 s5, s25;
	s8 =	sor.u32 $0x10, s6  }
0x114: {  	s12 =	sor.u32 $0x30, s6;
	[tilespmem:s31+$0x0] =	vst.add.f32.msk $0xffff, v7;
	s26 =	sadd.s32 s8, s0  }
0x115: {  	s10 =	sor.u32 $0x20, s6;
	s9 =	sadd.s32 s12, s0;
	v5 =	vld [tilespmem:s26+$0x0]  }
0x116: {  	s26 =	sadd.s32 s10, s0;
	v7 =	vld [tilespmem:s9+$0x0]  }
0x117: {  	v6 =	vld [tilespmem:s26+$0x0];
	s26 =	sadd.s32 s4, s22  }
0x118: {  	[tilespmem:s1+$0x0] =	vst.add.f32.msk $0xffff, v3;
	s0 =	sadd.s32 s6, s0;
	s1 =	sadd.s32 s5, s26  }
0x119: {  	s28 =	simm.s32 $0x40;
	s29 =	simm.s32 $0x200;
	v4 =	vld [tilespmem:s0+$0x0];
	s9 =	sadd.s32 s8, s1  }
0x11a: {  	s5 =	sand.u32 $0x40, s28;
	s8 =	sand.u32 $0x400, s29;
	s4 =	sadd.s32 s12, s1;
	[tilespmem:s9+$0x0] =	vst.add.f32.msk $0xffff, v5  }
0x11b: {  	s0 =	sadd.s32 s10, s1;
	s10 =	sor.u32 $0x10, s5;
	s9 =	sadd.s32 s8, s25;
	[tilespmem:s4+$0x0] =	vst.add.f32.msk $0xffff, v7  }
0x11c: {  	s12 =	sor.u32 $0x20, s5;
	[tilespmem:s0+$0x0] =	vst.add.f32.msk $0xffff, v6;
	s0 =	sadd.s32 s10, s9  }
0x11d: {  	s4 =	sor.u32 $0x30, s5;
	v6 =	vld [tilespmem:s0+$0x0];
	s0 =	sadd.s32 s12, s9  }
0x11e: {  	s8 =	sadd.s32 s8, s26;
	v5 =	vld [tilespmem:s0+$0x0];
	s0 =	sadd.s32 s4, s9  }
0x11f: {  	s30 =	sadd.s32 s6, s1;
	s6 =	sadd.s32 s5, s9;
	s1 =	sadd.s32 s5, s8;
	v7 =	vld [tilespmem:s0+$0x0]  }
0x120: {  	s31 =	sadd.s32 s4, s8;
	v3 =	vld [tilespmem:s6+$0x0];
	s9 =	sadd.s32 s10, s8;
	s0 =	sadd.s32 s12, s8  }
.LBB2_25:
0x121: {  	s28 =	sadd.s32 $0x40, s28;
	s29 =	sadd.s32 $0x200, s29;
	[tilespmem:s30+$0x0] =	vst.add.f32.msk $0xffff, v4;
	s30 =	smov.u32 s1  }
0x122: {  	s1 =	sand.u32 $0x40, s28;
	s4 =	sand.u32 $0x400, s29;
	p0 =	slt.u32 s28, $0xC0;
	[tilespmem:s9+$0x0] =	vst.add.f32.msk $0xffff, v6  }
0x123: {  	s5 =	sadd.s32 s4, s25;
	s6 =	sor.u32 $0x10, s1;
	s8 =	sor.u32 $0x30, s1;
	[tilespmem:s0+$0x0] =	vst.add.f32.msk $0xffff, v5  }
.Ltmp16:
0x124: {  	s10 =	sor.u32 $0x20, s1;
	s0 =	sadd.s32 s6, s5;
	[tilespmem:s31+$0x0] =	vst.add.f32.msk $0xffff, v7;
	(pc) =	sbr.rel @p0 .LBB2_25-.Ltmp16, $4  }
0x125: {  	s4 =	sadd.s32 s4, s26;
	s12 =	sadd.s32 s1, s5;
	v6 =	vld [tilespmem:s0+$0x0];
	s0 =	sadd.s32 s10, s5;
	v4 =	vmov v3  }
0x126: {  	s9 =	sadd.s32 s6, s4;
	s5 =	sadd.s32 s8, s5;
	v5 =	vld [tilespmem:s0+$0x0];
	s0 =	sadd.s32 s10, s4  }
0x127: {  	s1 =	sadd.s32 s1, s4;
	s31 =	sadd.s32 s8, s4;
	v7 =	vld [tilespmem:s5+$0x0]  }
0x128: {  	v3 =	vld [tilespmem:s12+$0x0]  }
0x129: {  	[tilespmem:s30+$0x0] =	vst.add.f32.msk $0xffff, v4;
	s4 =	sor.u32 $0x180, s24;
	s5 =	simm.s32 $0x0;
	s6 =	simm.s32 $0x0  }
0x12a: {  	[tilespmem:s9+$0x0] =	vst.add.f32.msk $0xffff, v6;
	s23 =	sadd.s32 s4, s23;
	s6 =	sand.u32 $0x40, s6;
	s5 =	sand.u32 $0x400, s5  }
0x12b: {  	[tilespmem:s0+$0x0] =	vst.add.f32.msk $0xffff, v5;
	s25 =	sadd.s32 s5, s23;
	s8 =	sor.u32 $0x10, s6  }
0x12c: {  	s10 =	sor.u32 $0x20, s6;
	[tilespmem:s31+$0x0] =	vst.add.f32.msk $0xffff, v7;
	s26 =	sadd.s32 s8, s25  }
0x12d: {  	s12 =	sor.u32 $0x30, s6;
	s29 =	sadd.s32 s10, s25;
	v4 =	vld [tilespmem:s26+$0x0]  }
0x12e: {  	s30 =	sadd.s32 s12, s25;
	v5 =	vld [tilespmem:s29+$0x0]  }
0x12f: {  	s22 =	sadd.s32 s4, s22;
	v6 =	vld [tilespmem:s30+$0x0]  }
0x130: {  	s0 =	sadd.s32 s6, s25;
	[tilespmem:s1+$0x0] =	vst.add.f32.msk $0xffff, v3;
	s1 =	sadd.s32 s5, s22  }
0x131: {  	s24 =	simm.s32 $0x40;
	s25 =	simm.s32 $0x200;
	v3 =	vld [tilespmem:s0+$0x0];
	s31 =	sadd.s32 s8, s1  }
0x132: {  	s5 =	sand.u32 $0x40, s24;
	s9 =	sand.u32 $0x400, s25;
	s8 =	sadd.s32 s10, s1;
	[tilespmem:s31+$0x0] =	vst.add.f32.msk $0xffff, v4  }
0x133: {  	s30 =	sadd.s32 s12, s1;
	s10 =	sor.u32 $0x10, s5;
	s31 =	sadd.s32 s9, s23;
	[tilespmem:s8+$0x0] =	vst.add.f32.msk $0xffff, v5  }
0x134: {  	s12 =	sor.u32 $0x20, s5;
	[tilespmem:s30+$0x0] =	vst.add.f32.msk $0xffff, v6;
	s26 =	sadd.s32 s10, s31  }
0x135: {  	s4 =	sor.u32 $0x30, s5;
	s29 =	sadd.s32 s12, s31;
	v4 =	vld [tilespmem:s26+$0x0]  }
0x136: {  	s8 =	sadd.s32 s9, s22;
	s30 =	sadd.s32 s4, s31;
	v5 =	vld [tilespmem:s29+$0x0]  }
0x137: {  	s31 =	sadd.s32 s5, s31;
	s0 =	sadd.s32 s12, s8;
	s28 =	sadd.s32 s5, s8;
	v7 =	vld [tilespmem:s30+$0x0]  }
0x138: {  	s9 =	sadd.s32 s4, s8;
	s26 =	sadd.s32 s6, s1;
	s1 =	sadd.s32 s10, s8;
	v6 =	vld [tilespmem:s31+$0x0]  }
.LBB2_27:
0x139: {  	s24 =	sadd.s32 $0x40, s24;
	s25 =	sadd.s32 $0x200, s25;
	[tilespmem:s26+$0x0] =	vst.add.f32.msk $0xffff, v3;
	s26 =	smov.u32 s28  }
0x13a: {  	s4 =	sand.u32 $0x40, s24;
	s5 =	sand.u32 $0x400, s25;
	p0 =	slt.u32 s24, $0xC0;
	[tilespmem:s1+$0x0] =	vst.add.f32.msk $0xffff, v4  }
0x13b: {  	s6 =	sadd.s32 s5, s23;
	s1 =	sor.u32 $0x10, s4;
	s8 =	sor.u32 $0x30, s4;
	[tilespmem:s0+$0x0] =	vst.add.f32.msk $0xffff, v5  }
.Ltmp17:
0x13c: {  	s10 =	sor.u32 $0x20, s4;
	s0 =	sadd.s32 s1, s6;
	[tilespmem:s9+$0x0] =	vst.add.f32.msk $0xffff, v7;
	(pc) =	sbr.rel @p0 .LBB2_27-.Ltmp17, $4  }
0x13d: {  	s5 =	sadd.s32 s5, s22;
	s12 =	sadd.s32 s4, s6;
	v4 =	vld [tilespmem:s0+$0x0];
	s0 =	sadd.s32 s10, s6;
	v3 =	vmov v6  }
0x13e: {  	s1 =	sadd.s32 s1, s5;
	s6 =	sadd.s32 s8, s6;
	v5 =	vld [tilespmem:s0+$0x0];
	s0 =	sadd.s32 s10, s5  }
0x13f: {  	s28 =	sadd.s32 s4, s5;
	s9 =	sadd.s32 s8, s5;
	v7 =	vld [tilespmem:s6+$0x0]  }
0x140: {  	v6 =	vld [tilespmem:s12+$0x0]  }
0x141: {  	p0 =	slt.u32 s21, $0x14  }
.Ltmp18:
0x142: {  	[tilespmem:s26+$0x0] =	vst.add.f32.msk $0xffff, v3;
	(pc) =	sbr.rel @p0 .LBB2_20-.Ltmp18, $4  }
0x143: {  	[tilespmem:s1+$0x0] =	vst.add.f32.msk $0xffff, v4  }
0x144: {  	[tilespmem:s0+$0x0] =	vst.add.f32.msk $0xffff, v5  }
0x145: {  	s31 =	sadd.s32 $0x4, s21;
	[tilespmem:s9+$0x0] =	vst.add.f32.msk $0xffff, v7  }
0x146: {  	s21 =	smov.u32 s31;
	[tilespmem:s28+$0x0] =	vst.add.f32.msk $0xffff, v6  }
0x147: {  	v3 =	vld [tilespmem:$0x200];
	_ =	sdelay $0x4  }
0x148: {  	v4 =	vshll.u32 v3, $0x1  }
0x149: {  	v3 =	vand.u32 $0x7, v3;
	v4 =	vand.u32 $0xFFFFFFF0, v4  }
0x14a: {  	v3 =	vor.u32 v3, v4  }
0x14b: {  	v4 =	vperm.xlane v3, v0;
	_ =	sdelay $0x1  }
0x14c: {  	v3 =	vperm.xlane v3, v2;
	v4 =	vadd.s32 v1, v4;
	_ =	sdelay $0x1  }
0x14d: {  	v3 =	vadd.s32 v1, v3;
	_ =	sdelay $0x1  }
0x14e: {  	s20 =	simm.s32 $0x0  }
0x14f: {  	[tilespmem:s15], [sflag:$0x2] =	stream.indirect_vreg.gather [hbm4b:s3+s20], $0x80, v4, vm0, $0xb8;
	[tilespmem:$0x5000] =	vst v63  }
0x150: {  	_ = 	snop  }
0x151: {  	[tilespmem:s16], [sflag:$0x2] =	stream.indirect_vreg.gather [hbm4b:s3+s20], $0x80, v3, vm0, $0xb8;
	[tilespmem:$0x5000] =	vst v63  }
0x152: {  	v3 =	vld.msk [tilespmem:$0x210], $0xff;
	_ =	sdelay $0x4  }
0x153: {  	v63 =	vshll.u32 v3, $0x1  }
0x154: {  	v3 =	vand.u32 $0x7, v3;
	v4 =	vand.u32 $0xFFFFFFF0, v63  }
0x155: {  	v3 =	vor.u32 v3, v4  }
0x156: {  	v3 =	vperm.xlane v3, v0;
	_ =	sdelay $0x1  }
0x157: {  	v3 =	vadd.s32 v1, v3;
	_ =	sdelay $0x4  }
0x158: {  	[tilespmem:s17], [sflag:$0x2] =	stream.indirect_vreg.gather [hbm4b:s3+s20], $0x80, v3, vm0, $0xb8;
	[tilespmem:$0x5000] =	vst v63  }
0x159: {  	_ =	swait.ge [sflag:s11], $0x1800  }
0x15a: {  	[sflag:s11] =	ssyncset.done $0x0  }
0x15b: {  	s21 =	simm.s32 $0x0;
	[sflag:s11] =	ssyncadd.s32 $0xFFFFE800  }
.LBB2_30:
0x15c: {  	s0 =	sshll.u32 s21, $0x8  }
0x15d: {  	s1 =	sshll.u32 s21, $0x7;
	s4 =	simm.s32 $0x0;
	s5 =	sand.u32 $0x400, s20  }
0x15e: {  	s0 =	sand.u32 $0x1800, s0;
	s1 =	sand.u32 $0x200, s1;
	s4 =	sand.u32 $0x40, s4  }
0x15f: {  	s22 =	sor.u32 s1, s0;
	s29 =	sor.u32 s5, s4  }
0x160: {  	s26 =	sor.u32 s22, s29  }
0x161: {  	s24 =	simm.s32 $0x40;
	s25 =	simm.s32 $0x200;
	v3 =	vld [tilespmem:s26+$0x830]  }
0x162: {  	s30 =	sand.u32 $0x40, s24;
	s31 =	sand.u32 $0x400, s25;
	v4 =	vld [tilespmem:s26+$0x800]  }
0x163: {  	s0 =	sor.u32 s31, s30;
	v6 =	vld [tilespmem:s26+$0x810]  }
0x164: {  	s23 =	sor.u32 s22, s0;
	v5 =	vld [tilespmem:s26+$0x820]  }
0x165: {  	v7 =	vld [tilespmem:s23+$0x830]  }
0x166: {  	[tilespmem:s26+$0x3830] =	vst.add.f32.msk $0xffff, v3  }
0x167: {  	[tilespmem:s26+$0x3800] =	vst.add.f32.msk $0xffff, v4  }
0x168: {  	[tilespmem:s26+$0x3810] =	vst.add.f32.msk $0xffff, v6  }
0x169: {  	v6 =	vld [tilespmem:s23+$0x800]  }
0x16a: {  	v4 =	vld [tilespmem:s23+$0x810]  }
0x16b: {  	v3 =	vld [tilespmem:s23+$0x820]  }
.LBB2_31:
0x16c: {  	s24 =	sadd.s32 $0x40, s24;
	s25 =	sadd.s32 $0x200, s25;
	[tilespmem:s26+$0x3820] =	vst.add.f32.msk $0xffff, v5  }
0x16d: {  	s0 =	sand.u32 $0x40, s24;
	s1 =	sand.u32 $0x400, s25;
	p0 =	slt.u32 s24, $0xC0;
	[tilespmem:s23+$0x3830] =	vst.add.f32.msk $0xffff, v7  }
0x16e: {  	s26 =	smov.u32 s23;
	s0 =	sor.u32 s1, s0;
	[tilespmem:s23+$0x3800] =	vst.add.f32.msk $0xffff, v6  }
.Ltmp19:
0x16f: {  	s23 =	sor.u32 s22, s0;
	[tilespmem:s26+$0x3810] =	vst.add.f32.msk $0xffff, v4;
	(pc) =	sbr.rel @p0 .LBB2_31-.Ltmp19, $4  }
0x170: {  	v7 =	vld [tilespmem:s23+$0x830];
	v5 =	vmov v3  }
0x171: {  	v6 =	vld [tilespmem:s23+$0x800]  }
0x172: {  	v4 =	vld [tilespmem:s23+$0x810]  }
0x173: {  	v3 =	vld [tilespmem:s23+$0x820]  }
0x174: {  	s0 =	simm.s32 $0x0;
	[tilespmem:s26+$0x3820] =	vst.add.f32.msk $0xffff, v5  }
0x175: {  	[tilespmem:s23+$0x3830] =	vst.add.f32.msk $0xffff, v7;
	s24 =	sand.u32 $0x400, s0  }
0x176: {  	[tilespmem:s23+$0x3800] =	vst.add.f32.msk $0xffff, v6;
	s1 =	sor.u32 s22, s24  }
0x177: {  	p1 =	por $0x1, $0x1;
	[tilespmem:s23+$0x3810] =	vst.add.f32.msk $0xffff, v4;
	s0 =	sor.u32 s0, s1  }
.Ltmp20:
0x178: {  	[tilespmem:s23+$0x3820] =	vst.add.f32.msk $0xffff, v3;
	s25 =	sor.u32 $0xA0, s0;
	(pc) =	sbr.rel @!p1 .LBB2_33-.Ltmp20, $4  }
0x179: {  	s28 =	sor.u32 $0xB0, s0;
	v6 =	vld [tilespmem:s25+$0x800]  }
0x17a: {  	s26 =	sor.u32 $0x80, s0;
	v3 =	vld [tilespmem:s28+$0x800]  }
0x17b: {  	s29 =	sor.u32 $0x90, s0;
	v4 =	vld [tilespmem:s26+$0x800]  }
0x17c: {  	p0 =	por $0x0, $0x0;
	s0 =	simm.s32 $0x40;
	s23 =	simm.s32 $0x200;
	v5 =	vld [tilespmem:s29+$0x800]  }
0x17d: {  	_ = 	snop  }
0x17e: {  	s1 =	sand.u32 $0x400, s23  }
0x17f: {  	s1 =	sor.u32 s22, s1;
	[tilespmem:s28+$0x3800] =	vst.add.f32.msk $0xffff, v3  }
0x180: {  	p2 =	por $0x1, $0x1;
	s0 =	sor.u32 s0, s1;
	[tilespmem:s26+$0x3800] =	vst.add.f32.msk $0xffff, v4  }
.Ltmp21:
0x181: {  	s28 =	sor.u32 $0xB0, s0;
	[tilespmem:s29+$0x3800] =	vst.add.f32.msk $0xffff, v5;
	(pc) =	sbr.rel @!p2 .LBB2_35-.Ltmp21, $4  }
0x182: {  	s26 =	sor.u32 $0x80, s0;
	v3 =	vld [tilespmem:s28+$0x800]  }
0x183: {  	s9 =	sor.u32 $0xA0, s0;
	v4 =	vld [tilespmem:s26+$0x800]  }
0x184: {  	s29 =	sor.u32 $0x90, s0;
	v7 =	vld [tilespmem:s9+$0x800]  }
0x185: {  	p1 =	por $0x1, $0x1;
	s1 =	simm.s32 $0x400;
	s0 =	simm.s32 $0x80;
	v5 =	vld [tilespmem:s29+$0x800]  }
.LBB2_36:
0x186: {  	s4 =	sand.u32 $0x400, s1  }
0x187: {  	p2 =	slt.u32 s0, $0xC0;
	[tilespmem:s25+$0x3800] =	vst.add.f32.msk $0xffff, v6;
	s25 =	smov.u32 s9;
	s4 =	sor.u32 s22, s4  }
0x188: {  	[tilespmem:s28+$0x3800] =	vst.add.f32.msk $0xffff, v3;
	s4 =	sor.u32 s0, s4  }
0x189: {  	[tilespmem:s26+$0x3800] =	vst.add.f32.msk $0xffff, v4;
	s26 =	sor.u32 $0x80, s4  }
.Ltmp22:
0x18a: {  	s28 =	sor.u32 $0xB0, s4;
	[tilespmem:s29+$0x3800] =	vst.add.f32.msk $0xffff, v5;
	s29 =	sor.u32 $0x90, s4;
	(pc) =	sbr.rel @p2 .LBB2_36-.Ltmp22, $4  }
0x18b: {  	s9 =	sor.u32 $0xA0, s4;
	v3 =	vld [tilespmem:s28+$0x800];
	v6 =	vmov v7  }
0x18c: {  	v4 =	vld [tilespmem:s26+$0x800]  }
0x18d: {  	v5 =	vld [tilespmem:s29+$0x800]  }
0x18e: {  	s1 =	sadd.s32 $0x200, s1;
	s0 =	sadd.s32 $0x40, s0;
	v7 =	vld [tilespmem:s9+$0x800]  }
0x18f: {  	_ =	sdelay $0x3  }
0x190: {  	v8 =	vmov v6;
	s0 =	smov.u32 s25;
	s25 =	smov.u32 s9;
	v6 =	vmov v7  }
.LBB2_38:
0x191: {  	[tilespmem:s0+$0x3800] =	vst.add.f32.msk @p1 $0xffff, v8;
	s31 =	simm.s32 $0x0  }
0x192: {  	[tilespmem:s28+$0x3800] =	vst.add.f32.msk $0xffff, v3;
	s0 =	sand.u32 $0x40, s31  }
0x193: {  	[tilespmem:s26+$0x3800] =	vst.add.f32.msk $0xffff, v4;
	s0 =	sor.u32 s24, s0  }
0x194: {  	[tilespmem:s25+$0x3800] =	vst.add.f32.msk $0xffff, v6;
	p1 =	por $0x1, $0x1;
	s24 =	sor.u32 s22, s0  }
.Ltmp23:
0x195: {  	v6 =	vld [tilespmem:s24+$0x920];
	(pc) =	sbr.rel @!p1 .LBB2_39-.Ltmp23, $4  }
0x196: {  	[tilespmem:s29+$0x3800] =	vst.add.f32.msk $0xffff, v5  }
0x197: {  	v5 =	vld [tilespmem:s24+$0x930]  }
0x198: {  	v4 =	vld [tilespmem:s24+$0x900]  }
0x199: {  	v3 =	vld [tilespmem:s24+$0x910]  }
0x19a: {  	_ = 	snop  }
0x19b: {  	s25 =	simm.s32 $0x40  }
0x19c: {  	s1 =	sand.u32 $0x400, s23;
	s0 =	sand.u32 $0x40, s25;
	[tilespmem:s24+$0x3930] =	vst.add.f32.msk $0xffff, v5  }
0x19d: {  	p1 =	por $0x1, $0x1;
	s0 =	sor.u32 s1, s0;
	[tilespmem:s24+$0x3900] =	vst.add.f32.msk $0xffff, v4  }
.Ltmp24:
0x19e: {  	s26 =	sor.u32 s22, s0;
	[tilespmem:s24+$0x3910] =	vst.add.f32.msk $0xffff, v3;
	(pc) =	sbr.rel @!p1 .LBB2_41-.Ltmp24, $4  }
0x19f: {  	v5 =	vld [tilespmem:s26+$0x930]  }
0x1a0: {  	v4 =	vld [tilespmem:s26+$0x900]  }
0x1a1: {  	v3 =	vld [tilespmem:s26+$0x910]  }
0x1a2: {  	p0 =	por $0x1, $0x1;
	v7 =	vld [tilespmem:s26+$0x920]  }
.LBB2_42:
0x1a3: {  	s25 =	sadd.s32 $0x40, s25;
	s23 =	sadd.s32 $0x200, s23;
	[tilespmem:s24+$0x3920] =	vst.add.f32.msk $0xffff, v6  }
0x1a4: {  	s0 =	sand.u32 $0x40, s25;
	s1 =	sand.u32 $0x400, s23;
	p1 =	slt.u32 s25, $0xC0;
	[tilespmem:s26+$0x3930] =	vst.add.f32.msk $0xffff, v5  }
0x1a5: {  	s24 =	smov.u32 s26;
	s0 =	sor.u32 s1, s0;
	[tilespmem:s26+$0x3900] =	vst.add.f32.msk $0xffff, v4  }
.Ltmp25:
0x1a6: {  	s26 =	sor.u32 s22, s0;
	[tilespmem:s24+$0x3910] =	vst.add.f32.msk $0xffff, v3;
	(pc) =	sbr.rel @p1 .LBB2_42-.Ltmp25, $4  }
0x1a7: {  	v5 =	vld [tilespmem:s26+$0x930];
	v6 =	vmov v7  }
0x1a8: {  	v4 =	vld [tilespmem:s26+$0x900]  }
0x1a9: {  	v3 =	vld [tilespmem:s26+$0x910]  }
0x1aa: {  	v7 =	vld [tilespmem:s26+$0x920]  }
0x1ab: {  	_ =	sdelay $0x3  }
0x1ac: {  	v8 =	vmov v6;
	s0 =	smov.u32 s24;
	s24 =	smov.u32 s26;
	v6 =	vmov v7  }
.LBB2_44:
0x1ad: {  	s1 =	simm.s32 $0x0;
	[tilespmem:s0+$0x3920] =	vst.add.f32.msk @p0 $0xffff, v8  }
0x1ae: {  	[tilespmem:s24+$0x3930] =	vst.add.f32.msk $0xffff, v5;
	s31 =	sand.u32 $0x400, s1  }
0x1af: {  	[tilespmem:s24+$0x3900] =	vst.add.f32.msk $0xffff, v4;
	s0 =	sor.u32 s22, s31  }
0x1b0: {  	[tilespmem:s24+$0x3910] =	vst.add.f32.msk $0xffff, v3;
	p1 =	por $0x1, $0x1;
	s0 =	sor.u32 s1, s0  }
.Ltmp26:
0x1b1: {  	[tilespmem:s24+$0x3920] =	vst.add.f32.msk $0xffff, v6;
	s23 =	sor.u32 $0x1A0, s0;
	(pc) =	sbr.rel @!p1 .LBB2_45-.Ltmp26, $4  }
0x1b2: {  	s25 =	sor.u32 $0x1B0, s0;
	v6 =	vld [tilespmem:s23+$0x800]  }
0x1b3: {  	s24 =	sor.u32 $0x180, s0;
	v3 =	vld [tilespmem:s25+$0x800]  }
0x1b4: {  	s26 =	sor.u32 $0x190, s0;
	v4 =	vld [tilespmem:s24+$0x800]  }
0x1b5: {  	p0 =	por $0x0, $0x0;
	s1 =	simm.s32 $0x200;
	s0 =	simm.s32 $0x40;
	v5 =	vld [tilespmem:s26+$0x800]  }
0x1b6: {  	_ = 	snop  }
0x1b7: {  	s1 =	sand.u32 $0x400, s1  }
0x1b8: {  	s1 =	sor.u32 s22, s1;
	[tilespmem:s25+$0x3800] =	vst.add.f32.msk $0xffff, v3  }
0x1b9: {  	p1 =	por $0x1, $0x1;
	s0 =	sor.u32 s0, s1;
	[tilespmem:s24+$0x3800] =	vst.add.f32.msk $0xffff, v4  }
.Ltmp27:
0x1ba: {  	s25 =	sor.u32 $0x1B0, s0;
	[tilespmem:s26+$0x3800] =	vst.add.f32.msk $0xffff, v5;
	(pc) =	sbr.rel @!p1 .LBB2_47-.Ltmp27, $4  }
0x1bb: {  	s24 =	sor.u32 $0x180, s0;
	v3 =	vld [tilespmem:s25+$0x800]  }
0x1bc: {  	s9 =	sor.u32 $0x1A0, s0;
	v4 =	vld [tilespmem:s24+$0x800]  }
0x1bd: {  	s26 =	sor.u32 $0x190, s0;
	v7 =	vld [tilespmem:s9+$0x800]  }
0x1be: {  	p0 =	por $0x1, $0x1;
	s1 =	simm.s32 $0x400;
	s0 =	simm.s32 $0x80;
	v5 =	vld [tilespmem:s26+$0x800]  }
.LBB2_48:
0x1bf: {  	s4 =	sand.u32 $0x400, s1  }
0x1c0: {  	p1 =	slt.u32 s0, $0xC0;
	[tilespmem:s23+$0x3800] =	vst.add.f32.msk $0xffff, v6;
	s23 =	smov.u32 s9;
	s4 =	sor.u32 s22, s4  }
0x1c1: {  	[tilespmem:s25+$0x3800] =	vst.add.f32.msk $0xffff, v3;
	s4 =	sor.u32 s0, s4  }
0x1c2: {  	[tilespmem:s24+$0x3800] =	vst.add.f32.msk $0xffff, v4;
	s24 =	sor.u32 $0x180, s4  }
.Ltmp28:
0x1c3: {  	s25 =	sor.u32 $0x1B0, s4;
	[tilespmem:s26+$0x3800] =	vst.add.f32.msk $0xffff, v5;
	s26 =	sor.u32 $0x190, s4;
	(pc) =	sbr.rel @p1 .LBB2_48-.Ltmp28, $4  }
0x1c4: {  	s9 =	sor.u32 $0x1A0, s4;
	v3 =	vld [tilespmem:s25+$0x800];
	v6 =	vmov v7  }
0x1c5: {  	v4 =	vld [tilespmem:s24+$0x800]  }
0x1c6: {  	v5 =	vld [tilespmem:s26+$0x800]  }
0x1c7: {  	s1 =	sadd.s32 $0x200, s1;
	s0 =	sadd.s32 $0x40, s0;
	v7 =	vld [tilespmem:s9+$0x800]  }
0x1c8: {  	_ =	sdelay $0x3  }
0x1c9: {  	v8 =	vmov v6;
	s0 =	smov.u32 s23;
	s23 =	smov.u32 s9;
	v6 =	vmov v7  }
.LBB2_50:
0x1ca: {  	[tilespmem:s0+$0x3800] =	vst.add.f32.msk @p0 $0xffff, v8;
	p0 =	slt.u32 s21, $0x14  }
.Ltmp29:
0x1cb: {  	_ = 	snop;
	(pc) =	sbr.rel @p0 .LBB2_30-.Ltmp29, $4  }
.Ltmp30:
0x1cc: {  	[tilespmem:s25+$0x3800] =	vst.add.f32.msk $0xffff, v3;
	(pc) =	sbr.rel @!p0 .LBB2_51-.Ltmp30, $4  }
0x1cd: {  	[tilespmem:s24+$0x3800] =	vst.add.f32.msk $0xffff, v4  }
0x1ce: {  	[tilespmem:s26+$0x3800] =	vst.add.f32.msk $0xffff, v5;
	s31 =	sadd.s32 $0x4, s21  }
0x1cf: {  	[tilespmem:s23+$0x3800] =	vst.add.f32.msk $0xffff, v6;
	s21 =	smov.u32 s31  }
0x1d0: {  	_ = 	snop  }
.LBB2_33:
.Ltmp31:
0x1d1: {  	(pc) =	sbr.rel .LBB2_38-.Ltmp31, $2  }
0x1d2: {  	_ =	sdelay $0x2  }
0x1d3: {  	p1 =	por $0x0, $0x0  }
.LBB2_39:
.Ltmp32:
0x1d4: {  	(pc) =	sbr.rel .LBB2_44-.Ltmp32, $2  }
0x1d5: {  	_ =	sdelay $0x2  }
0x1d6: {  	_ = 	snop  }
.LBB2_45:
.Ltmp33:
0x1d7: {  	(pc) =	sbr.rel .LBB2_50-.Ltmp33, $2  }
0x1d8: {  	_ =	sdelay $0x2  }
0x1d9: {  	_ = 	snop  }
.LBB2_35:
.Ltmp34:
0x1da: {  	(pc) =	sbr.rel .LBB2_38-.Ltmp34, $2  }
0x1db: {  	_ =	sdelay $0x2  }
0x1dc: {  	v8 =	vmov v6;
	s0 =	smov.u32 s25;
	s25 =	smov.u32 s9;
	v6 =	vmov v7  }
.LBB2_41:
.Ltmp35:
0x1dd: {  	_ = 	snop;
	(pc) =	sbr.rel .LBB2_44-.Ltmp35, $2  }
0x1de: {  	_ =	sdelay $0x2  }
0x1df: {  	v8 =	vmov v6;
	s0 =	smov.u32 s24;
	s24 =	smov.u32 s26;
	v6 =	vmov v7  }
.LBB2_47:
.Ltmp36:
0x1e0: {  	(pc) =	sbr.rel .LBB2_50-.Ltmp36, $2  }
0x1e1: {  	_ =	sdelay $0x2  }
0x1e2: {  	v8 =	vmov v6;
	s0 =	smov.u32 s23;
	s23 =	smov.u32 s9;
	v6 =	vmov v7  }
.LBB2_51:
0x1e3: {  	v3 =	vld [tilespmem:$0x280];
	_ =	sdelay $0x4  }
0x1e4: {  	v4 =	vshll.u32 v3, $0x1  }
0x1e5: {  	v3 =	vand.u32 $0x7, v3;
	v4 =	vand.u32 $0xFFFFFFF0, v4  }
0x1e6: {  	v3 =	vor.u32 v3, v4  }
0x1e7: {  	v4 =	vperm.xlane v3, v0;
	_ =	sdelay $0x1  }
0x1e8: {  	v3 =	vperm.xlane v3, v2;
	v4 =	vadd.s32 v1, v4;
	_ =	sdelay $0x1  }
0x1e9: {  	v3 =	vadd.s32 v1, v3;
	_ =	sdelay $0x1  }
0x1ea: {  	s20 =	simm.s32 $0x0;
	s0 =	simm.s32 $0x800  }
0x1eb: {  	[tilespmem:s0], [sflag:$0x1] =	stream.indirect_vreg.gather [hbm4b:s3+s20], $0x80, v4, vm0, $0xb8;
	[tilespmem:$0x5000] =	vst v63  }
0x1ec: {  	_ = 	snop  }
0x1ed: {  	[tilespmem:s13], [sflag:$0x1] =	stream.indirect_vreg.gather [hbm4b:s3+s20], $0x80, v3, vm0, $0xb8;
	[tilespmem:$0x5000] =	vst v63  }
0x1ee: {  	v3 =	vld.msk [tilespmem:$0x290], $0xff;
	_ =	sdelay $0x4  }
0x1ef: {  	v63 =	vshll.u32 v3, $0x1  }
0x1f0: {  	v3 =	vand.u32 $0x7, v3;
	v4 =	vand.u32 $0xFFFFFFF0, v63  }
0x1f1: {  	v3 =	vor.u32 v3, v4  }
0x1f2: {  	v3 =	vperm.xlane v3, v0;
	_ =	sdelay $0x1  }
0x1f3: {  	v3 =	vadd.s32 v1, v3;
	_ =	sdelay $0x4  }
0x1f4: {  	[tilespmem:s14], [sflag:$0x1] =	stream.indirect_vreg.gather [hbm4b:s3+s20], $0x80, v3, vm0, $0xb8;
	[tilespmem:$0x5000] =	vst v63  }
0x1f5: {  	_ =	swait.ge [sflag:s18], $0x1800  }
0x1f6: {  	[sflag:s18] =	ssyncset.done $0x0  }
0x1f7: {  	s21 =	simm.s32 $0x0;
	[sflag:s18] =	ssyncadd.s32 $0xFFFFE800  }
.LBB2_52:
0x1f8: {  	s0 =	sshll.u32 s21, $0x8  }
0x1f9: {  	s1 =	sshll.u32 s21, $0x7;
	s0 =	sand.u32 $0x1800, s0  }
0x1fa: {  	s22 =	simm.s32 $0x0;
	s24 =	sand.u32 $0x200, s1;
	s23 =	sor.u32 $0x2000, s0  }
0x1fb: {  	s4 =	sand.u32 $0x400, s20;
	s1 =	sand.u32 $0x40, s22;
	s25 =	sor.u32 s24, s23  }
0x1fc: {  	s6 =	sor.u32 $0x10, s1;
	s5 =	sadd.s32 s4, s25  }
0x1fd: {  	s9 =	sor.u32 $0x20, s1;
	s8 =	sadd.s32 s6, s5  }
0x1fe: {  	s10 =	sor.u32 $0x30, s1;
	s26 =	sadd.s32 s9, s5;
	v3 =	vld [tilespmem:s8+$0x0]  }
0x1ff: {  	s22 =	sadd.s32 $0x3800, s0;
	s12 =	sadd.s32 s10, s5;
	v5 =	vld [tilespmem:s26+$0x0]  }
0x200: {  	s26 =	sor.u32 s24, s22;
	v6 =	vld [tilespmem:s12+$0x0]  }
0x201: {  	s8 =	sadd.s32 s1, s5;
	s4 =	sadd.s32 s4, s26  }
0x202: {  	s28 =	simm.s32 $0x40;
	s29 =	simm.s32 $0x200;
	v4 =	vld [tilespmem:s8+$0x0];
	s5 =	sadd.s32 s6, s4  }
0x203: {  	s8 =	sand.u32 $0x400, s29;
	s12 =	sadd.s32 s9, s4;
	s6 =	sand.u32 $0x40, s28;
	[tilespmem:s5+$0x0] =	vst.add.f32.msk $0xffff, v3  }
0x204: {  	s9 =	sadd.s32 s8, s25;
	s5 =	sadd.s32 s10, s4;
	s10 =	sor.u32 $0x10, s6;
	[tilespmem:s12+$0x0] =	vst.add.f32.msk $0xffff, v5  }
0x205: {  	s12 =	sor.u32 $0x20, s6;
	s0 =	sadd.s32 s10, s9;
	[tilespmem:s5+$0x0] =	vst.add.f32.msk $0xffff, v6  }
0x206: {  	s5 =	sor.u32 $0x30, s6;
	v6 =	vld [tilespmem:s0+$0x0];
	s0 =	sadd.s32 s12, s9  }
0x207: {  	s8 =	sadd.s32 s8, s26;
	v5 =	vld [tilespmem:s0+$0x0];
	s0 =	sadd.s32 s5, s9  }
0x208: {  	s30 =	sadd.s32 s1, s4;
	s1 =	sadd.s32 s6, s8;
	s4 =	sadd.s32 s6, s9;
	v7 =	vld [tilespmem:s0+$0x0]  }
0x209: {  	v3 =	vld [tilespmem:s4+$0x0];
	s31 =	sadd.s32 s5, s8;
	s9 =	sadd.s32 s10, s8;
	s0 =	sadd.s32 s12, s8  }
.LBB2_53:
0x20a: {  	s28 =	sadd.s32 $0x40, s28;
	s29 =	sadd.s32 $0x200, s29;
	[tilespmem:s30+$0x0] =	vst.add.f32.msk $0xffff, v4;
	s30 =	smov.u32 s1  }
0x20b: {  	s1 =	sand.u32 $0x40, s28;
	s4 =	sand.u32 $0x400, s29;
	p0 =	slt.u32 s28, $0xC0;
	[tilespmem:s9+$0x0] =	vst.add.f32.msk $0xffff, v6  }
0x20c: {  	s5 =	sadd.s32 s4, s25;
	s6 =	sor.u32 $0x10, s1;
	s8 =	sor.u32 $0x30, s1;
	[tilespmem:s0+$0x0] =	vst.add.f32.msk $0xffff, v5  }
.Ltmp37:
0x20d: {  	s10 =	sor.u32 $0x20, s1;
	s0 =	sadd.s32 s6, s5;
	[tilespmem:s31+$0x0] =	vst.add.f32.msk $0xffff, v7;
	(pc) =	sbr.rel @p0 .LBB2_53-.Ltmp37, $4  }
0x20e: {  	s4 =	sadd.s32 s4, s26;
	s12 =	sadd.s32 s1, s5;
	v6 =	vld [tilespmem:s0+$0x0];
	s0 =	sadd.s32 s10, s5;
	v4 =	vmov v3  }
0x20f: {  	s9 =	sadd.s32 s6, s4;
	s5 =	sadd.s32 s8, s5;
	v5 =	vld [tilespmem:s0+$0x0];
	s0 =	sadd.s32 s10, s4  }
0x210: {  	s1 =	sadd.s32 s1, s4;
	s31 =	sadd.s32 s8, s4;
	v7 =	vld [tilespmem:s5+$0x0]  }
0x211: {  	v3 =	vld [tilespmem:s12+$0x0]  }
0x212: {  	[tilespmem:s30+$0x0] =	vst.add.f32.msk $0xffff, v4;
	s4 =	sor.u32 $0x80, s24;
	s5 =	simm.s32 $0x0;
	s6 =	simm.s32 $0x0  }
0x213: {  	[tilespmem:s9+$0x0] =	vst.add.f32.msk $0xffff, v6;
	s25 =	sadd.s32 s4, s23;
	s6 =	sand.u32 $0x40, s6;
	s5 =	sand.u32 $0x400, s5  }
0x214: {  	[tilespmem:s0+$0x0] =	vst.add.f32.msk $0xffff, v5;
	s0 =	sadd.s32 s5, s25;
	s8 =	sor.u32 $0x10, s6  }
0x215: {  	s12 =	sor.u32 $0x30, s6;
	[tilespmem:s31+$0x0] =	vst.add.f32.msk $0xffff, v7;
	s26 =	sadd.s32 s8, s0  }
0x216: {  	s10 =	sor.u32 $0x20, s6;
	s9 =	sadd.s32 s12, s0;
	v5 =	vld [tilespmem:s26+$0x0]  }
0x217: {  	s26 =	sadd.s32 s10, s0;
	v7 =	vld [tilespmem:s9+$0x0]  }
0x218: {  	v6 =	vld [tilespmem:s26+$0x0];
	s26 =	sadd.s32 s4, s22  }
0x219: {  	[tilespmem:s1+$0x0] =	vst.add.f32.msk $0xffff, v3;
	s0 =	sadd.s32 s6, s0;
	s1 =	sadd.s32 s5, s26  }
0x21a: {  	s28 =	simm.s32 $0x40;
	s29 =	simm.s32 $0x200;
	v4 =	vld [tilespmem:s0+$0x0];
	s9 =	sadd.s32 s8, s1  }
0x21b: {  	s5 =	sand.u32 $0x40, s28;
	s8 =	sand.u32 $0x400, s29;
	s4 =	sadd.s32 s12, s1;
	[tilespmem:s9+$0x0] =	vst.add.f32.msk $0xffff, v5  }
0x21c: {  	s0 =	sadd.s32 s10, s1;
	s10 =	sor.u32 $0x10, s5;
	s9 =	sadd.s32 s8, s25;
	[tilespmem:s4+$0x0] =	vst.add.f32.msk $0xffff, v7  }
0x21d: {  	s12 =	sor.u32 $0x20, s5;
	[tilespmem:s0+$0x0] =	vst.add.f32.msk $0xffff, v6;
	s0 =	sadd.s32 s10, s9  }
0x21e: {  	s4 =	sor.u32 $0x30, s5;
	v6 =	vld [tilespmem:s0+$0x0];
	s0 =	sadd.s32 s12, s9  }
0x21f: {  	s8 =	sadd.s32 s8, s26;
	v5 =	vld [tilespmem:s0+$0x0];
	s0 =	sadd.s32 s4, s9  }
0x220: {  	s30 =	sadd.s32 s6, s1;
	s6 =	sadd.s32 s5, s9;
	s1 =	sadd.s32 s5, s8;
	v7 =	vld [tilespmem:s0+$0x0]  }
0x221: {  	s31 =	sadd.s32 s4, s8;
	v3 =	vld [tilespmem:s6+$0x0];
	s9 =	sadd.s32 s10, s8;
	s0 =	sadd.s32 s12, s8  }
.LBB2_55:
0x222: {  	s28 =	sadd.s32 $0x40, s28;
	s29 =	sadd.s32 $0x200, s29;
	[tilespmem:s30+$0x0] =	vst.add.f32.msk $0xffff, v4;
	s30 =	smov.u32 s1  }
0x223: {  	s1 =	sand.u32 $0x40, s28;
	s4 =	sand.u32 $0x400, s29;
	p0 =	slt.u32 s28, $0xC0;
	[tilespmem:s9+$0x0] =	vst.add.f32.msk $0xffff, v6  }
0x224: {  	s5 =	sadd.s32 s4, s25;
	s6 =	sor.u32 $0x10, s1;
	s8 =	sor.u32 $0x30, s1;
	[tilespmem:s0+$0x0] =	vst.add.f32.msk $0xffff, v5  }
.Ltmp38:
0x225: {  	s10 =	sor.u32 $0x20, s1;
	s0 =	sadd.s32 s6, s5;
	[tilespmem:s31+$0x0] =	vst.add.f32.msk $0xffff, v7;
	(pc) =	sbr.rel @p0 .LBB2_55-.Ltmp38, $4  }
0x226: {  	s4 =	sadd.s32 s4, s26;
	s12 =	sadd.s32 s1, s5;
	v6 =	vld [tilespmem:s0+$0x0];
	s0 =	sadd.s32 s10, s5;
	v4 =	vmov v3  }
0x227: {  	s9 =	sadd.s32 s6, s4;
	s5 =	sadd.s32 s8, s5;
	v5 =	vld [tilespmem:s0+$0x0];
	s0 =	sadd.s32 s10, s4  }
0x228: {  	s1 =	sadd.s32 s1, s4;
	s31 =	sadd.s32 s8, s4;
	v7 =	vld [tilespmem:s5+$0x0]  }
0x229: {  	v3 =	vld [tilespmem:s12+$0x0]  }
0x22a: {  	[tilespmem:s30+$0x0] =	vst.add.f32.msk $0xffff, v4;
	s4 =	sor.u32 $0x100, s24;
	s5 =	simm.s32 $0x0;
	s6 =	simm.s32 $0x0  }
0x22b: {  	[tilespmem:s9+$0x0] =	vst.add.f32.msk $0xffff, v6;
	s25 =	sadd.s32 s4, s23;
	s6 =	sand.u32 $0x40, s6;
	s5 =	sand.u32 $0x400, s5  }
0x22c: {  	[tilespmem:s0+$0x0] =	vst.add.f32.msk $0xffff, v5;
	s0 =	sadd.s32 s5, s25;
	s8 =	sor.u32 $0x10, s6  }
0x22d: {  	s12 =	sor.u32 $0x30, s6;
	[tilespmem:s31+$0x0] =	vst.add.f32.msk $0xffff, v7;
	s26 =	sadd.s32 s8, s0  }
0x22e: {  	s10 =	sor.u32 $0x20, s6;
	s9 =	sadd.s32 s12, s0;
	v5 =	vld [tilespmem:s26+$0x0]  }
0x22f: {  	s26 =	sadd.s32 s10, s0;
	v7 =	vld [tilespmem:s9+$0x0]  }
0x230: {  	v6 =	vld [tilespmem:s26+$0x0];
	s26 =	sadd.s32 s4, s22  }
0x231: {  	[tilespmem:s1+$0x0] =	vst.add.f32.msk $0xffff, v3;
	s0 =	sadd.s32 s6, s0;
	s1 =	sadd.s32 s5, s26  }
0x232: {  	s28 =	simm.s32 $0x40;
	s29 =	simm.s32 $0x200;
	v4 =	vld [tilespmem:s0+$0x0];
	s9 =	sadd.s32 s8, s1  }
0x233: {  	s5 =	sand.u32 $0x40, s28;
	s8 =	sand.u32 $0x400, s29;
	s4 =	sadd.s32 s12, s1;
	[tilespmem:s9+$0x0] =	vst.add.f32.msk $0xffff, v5  }
0x234: {  	s0 =	sadd.s32 s10, s1;
	s10 =	sor.u32 $0x10, s5;
	s9 =	sadd.s32 s8, s25;
	[tilespmem:s4+$0x0] =	vst.add.f32.msk $0xffff, v7  }
0x235: {  	s12 =	sor.u32 $0x20, s5;
	[tilespmem:s0+$0x0] =	vst.add.f32.msk $0xffff, v6;
	s0 =	sadd.s32 s10, s9  }
0x236: {  	s4 =	sor.u32 $0x30, s5;
	v6 =	vld [tilespmem:s0+$0x0];
	s0 =	sadd.s32 s12, s9  }
0x237: {  	s8 =	sadd.s32 s8, s26;
	v5 =	vld [tilespmem:s0+$0x0];
	s0 =	sadd.s32 s4, s9  }
0x238: {  	s30 =	sadd.s32 s6, s1;
	s6 =	sadd.s32 s5, s9;
	s1 =	sadd.s32 s5, s8;
	v7 =	vld [tilespmem:s0+$0x0]  }
0x239: {  	s31 =	sadd.s32 s4, s8;
	v3 =	vld [tilespmem:s6+$0x0];
	s9 =	sadd.s32 s10, s8;
	s0 =	sadd.s32 s12, s8  }
.LBB2_57:
0x23a: {  	s28 =	sadd.s32 $0x40, s28;
	s29 =	sadd.s32 $0x200, s29;
	[tilespmem:s30+$0x0] =	vst.add.f32.msk $0xffff, v4;
	s30 =	smov.u32 s1  }
0x23b: {  	s1 =	sand.u32 $0x40, s28;
	s4 =	sand.u32 $0x400, s29;
	p0 =	slt.u32 s28, $0xC0;
	[tilespmem:s9+$0x0] =	vst.add.f32.msk $0xffff, v6  }
0x23c: {  	s5 =	sadd.s32 s4, s25;
	s6 =	sor.u32 $0x10, s1;
	s8 =	sor.u32 $0x30, s1;
	[tilespmem:s0+$0x0] =	vst.add.f32.msk $0xffff, v5  }
.Ltmp39:
0x23d: {  	s10 =	sor.u32 $0x20, s1;
	s0 =	sadd.s32 s6, s5;
	[tilespmem:s31+$0x0] =	vst.add.f32.msk $0xffff, v7;
	(pc) =	sbr.rel @p0 .LBB2_57-.Ltmp39, $4  }
0x23e: {  	s4 =	sadd.s32 s4, s26;
	s12 =	sadd.s32 s1, s5;
	v6 =	vld [tilespmem:s0+$0x0];
	s0 =	sadd.s32 s10, s5;
	v4 =	vmov v3  }
0x23f: {  	s9 =	sadd.s32 s6, s4;
	s5 =	sadd.s32 s8, s5;
	v5 =	vld [tilespmem:s0+$0x0];
	s0 =	sadd.s32 s10, s4  }
0x240: {  	s1 =	sadd.s32 s1, s4;
	s31 =	sadd.s32 s8, s4;
	v7 =	vld [tilespmem:s5+$0x0]  }
0x241: {  	v3 =	vld [tilespmem:s12+$0x0]  }
0x242: {  	[tilespmem:s30+$0x0] =	vst.add.f32.msk $0xffff, v4;
	s4 =	sor.u32 $0x180, s24;
	s5 =	simm.s32 $0x0;
	s6 =	simm.s32 $0x0  }
0x243: {  	[tilespmem:s9+$0x0] =	vst.add.f32.msk $0xffff, v6;
	s23 =	sadd.s32 s4, s23;
	s6 =	sand.u32 $0x40, s6;
	s5 =	sand.u32 $0x400, s5  }
0x244: {  	[tilespmem:s0+$0x0] =	vst.add.f32.msk $0xffff, v5;
	s25 =	sadd.s32 s5, s23;
	s8 =	sor.u32 $0x10, s6  }
0x245: {  	s10 =	sor.u32 $0x20, s6;
	[tilespmem:s31+$0x0] =	vst.add.f32.msk $0xffff, v7;
	s26 =	sadd.s32 s8, s25  }
0x246: {  	s12 =	sor.u32 $0x30, s6;
	s29 =	sadd.s32 s10, s25;
	v4 =	vld [tilespmem:s26+$0x0]  }
0x247: {  	s30 =	sadd.s32 s12, s25;
	v5 =	vld [tilespmem:s29+$0x0]  }
0x248: {  	s22 =	sadd.s32 s4, s22;
	v6 =	vld [tilespmem:s30+$0x0]  }
0x249: {  	s0 =	sadd.s32 s6, s25;
	[tilespmem:s1+$0x0] =	vst.add.f32.msk $0xffff, v3;
	s1 =	sadd.s32 s5, s22  }
0x24a: {  	s24 =	simm.s32 $0x40;
	s25 =	simm.s32 $0x200;
	v3 =	vld [tilespmem:s0+$0x0];
	s31 =	sadd.s32 s8, s1  }
0x24b: {  	s5 =	sand.u32 $0x40, s24;
	s9 =	sand.u32 $0x400, s25;
	s8 =	sadd.s32 s10, s1;
	[tilespmem:s31+$0x0] =	vst.add.f32.msk $0xffff, v4  }
0x24c: {  	s30 =	sadd.s32 s12, s1;
	s10 =	sor.u32 $0x10, s5;
	s31 =	sadd.s32 s9, s23;
	[tilespmem:s8+$0x0] =	vst.add.f32.msk $0xffff, v5  }
0x24d: {  	s12 =	sor.u32 $0x20, s5;
	[tilespmem:s30+$0x0] =	vst.add.f32.msk $0xffff, v6;
	s26 =	sadd.s32 s10, s31  }
0x24e: {  	s4 =	sor.u32 $0x30, s5;
	s29 =	sadd.s32 s12, s31;
	v4 =	vld [tilespmem:s26+$0x0]  }
0x24f: {  	s8 =	sadd.s32 s9, s22;
	s30 =	sadd.s32 s4, s31;
	v5 =	vld [tilespmem:s29+$0x0]  }
0x250: {  	s31 =	sadd.s32 s5, s31;
	s0 =	sadd.s32 s12, s8;
	s28 =	sadd.s32 s5, s8;
	v7 =	vld [tilespmem:s30+$0x0]  }
0x251: {  	s9 =	sadd.s32 s4, s8;
	s26 =	sadd.s32 s6, s1;
	s1 =	sadd.s32 s10, s8;
	v6 =	vld [tilespmem:s31+$0x0]  }
.LBB2_59:
0x252: {  	s24 =	sadd.s32 $0x40, s24;
	s25 =	sadd.s32 $0x200, s25;
	[tilespmem:s26+$0x0] =	vst.add.f32.msk $0xffff, v3;
	s26 =	smov.u32 s28  }
0x253: {  	s4 =	sand.u32 $0x40, s24;
	s5 =	sand.u32 $0x400, s25;
	p0 =	slt.u32 s24, $0xC0;
	[tilespmem:s1+$0x0] =	vst.add.f32.msk $0xffff, v4  }
0x254: {  	s6 =	sadd.s32 s5, s23;
	s1 =	sor.u32 $0x10, s4;
	s8 =	sor.u32 $0x30, s4;
	[tilespmem:s0+$0x0] =	vst.add.f32.msk $0xffff, v5  }
.Ltmp40:
0x255: {  	s10 =	sor.u32 $0x20, s4;
	s0 =	sadd.s32 s1, s6;
	[tilespmem:s9+$0x0] =	vst.add.f32.msk $0xffff, v7;
	(pc) =	sbr.rel @p0 .LBB2_59-.Ltmp40, $4  }
0x256: {  	s5 =	sadd.s32 s5, s22;
	s12 =	sadd.s32 s4, s6;
	v4 =	vld [tilespmem:s0+$0x0];
	s0 =	sadd.s32 s10, s6;
	v3 =	vmov v6  }
0x257: {  	s1 =	sadd.s32 s1, s5;
	s6 =	sadd.s32 s8, s6;
	v5 =	vld [tilespmem:s0+$0x0];
	s0 =	sadd.s32 s10, s5  }
0x258: {  	s28 =	sadd.s32 s4, s5;
	s9 =	sadd.s32 s8, s5;
	v7 =	vld [tilespmem:s6+$0x0]  }
0x259: {  	v6 =	vld [tilespmem:s12+$0x0]  }
0x25a: {  	p0 =	slt.u32 s21, $0x14  }
.Ltmp41:
0x25b: {  	[tilespmem:s26+$0x0] =	vst.add.f32.msk $0xffff, v3;
	(pc) =	sbr.rel @p0 .LBB2_52-.Ltmp41, $4  }
0x25c: {  	[tilespmem:s1+$0x0] =	vst.add.f32.msk $0xffff, v4  }
0x25d: {  	[tilespmem:s0+$0x0] =	vst.add.f32.msk $0xffff, v5  }
0x25e: {  	s31 =	sadd.s32 $0x4, s21;
	[tilespmem:s9+$0x0] =	vst.add.f32.msk $0xffff, v7  }
0x25f: {  	s21 =	smov.u32 s31;
	[tilespmem:s28+$0x0] =	vst.add.f32.msk $0xffff, v6  }
0x260: {  	v3 =	vld [tilespmem:$0x300];
	_ =	sdelay $0x4  }
0x261: {  	v4 =	vshll.u32 v3, $0x1  }
0x262: {  	v3 =	vand.u32 $0x7, v3;
	v4 =	vand.u32 $0xFFFFFFF0, v4  }
0x263: {  	v3 =	vor.u32 v3, v4  }
0x264: {  	v4 =	vperm.xlane v3, v0;
	_ =	sdelay $0x1  }
0x265: {  	v3 =	vperm.xlane v3, v2;
	v4 =	vadd.s32 v1, v4;
	_ =	sdelay $0x1  }
0x266: {  	v3 =	vadd.s32 v1, v3;
	_ =	sdelay $0x1  }
0x267: {  	s20 =	simm.s32 $0x0  }
0x268: {  	[tilespmem:s15], [sflag:$0x2] =	stream.indirect_vreg.gather [hbm4b:s3+s20], $0x80, v4, vm0, $0xb8;
	[tilespmem:$0x5000] =	vst v63  }
0x269: {  	_ = 	snop  }
0x26a: {  	[tilespmem:s16], [sflag:$0x2] =	stream.indirect_vreg.gather [hbm4b:s3+s20], $0x80, v3, vm0, $0xb8;
	[tilespmem:$0x5000] =	vst v63  }
0x26b: {  	v3 =	vld.msk [tilespmem:$0x310], $0xff;
	_ =	sdelay $0x4  }
0x26c: {  	v63 =	vshll.u32 v3, $0x1  }
0x26d: {  	v3 =	vand.u32 $0x7, v3;
	v4 =	vand.u32 $0xFFFFFFF0, v63  }
0x26e: {  	v3 =	vor.u32 v3, v4  }
0x26f: {  	v3 =	vperm.xlane v3, v0;
	_ =	sdelay $0x1  }
0x270: {  	v3 =	vadd.s32 v1, v3;
	_ =	sdelay $0x4  }
0x271: {  	[tilespmem:s17], [sflag:$0x2] =	stream.indirect_vreg.gather [hbm4b:s3+s20], $0x80, v3, vm0, $0xb8;
	[tilespmem:$0x5000] =	vst v63  }
0x272: {  	_ =	swait.ge [sflag:s11], $0x1800  }
0x273: {  	[sflag:s11] =	ssyncset.done $0x0  }
0x274: {  	s21 =	simm.s32 $0x0;
	[sflag:s11] =	ssyncadd.s32 $0xFFFFE800  }
.LBB2_62:
0x275: {  	s0 =	sshll.u32 s21, $0x8  }
0x276: {  	s1 =	sshll.u32 s21, $0x7;
	s4 =	simm.s32 $0x0;
	s5 =	sand.u32 $0x400, s20  }
0x277: {  	s0 =	sand.u32 $0x1800, s0;
	s1 =	sand.u32 $0x200, s1;
	s4 =	sand.u32 $0x40, s4  }
0x278: {  	s22 =	sor.u32 s1, s0;
	s29 =	sor.u32 s5, s4  }
0x279: {  	s26 =	sor.u32 s22, s29  }
0x27a: {  	s24 =	simm.s32 $0x40;
	s25 =	simm.s32 $0x200;
	v3 =	vld [tilespmem:s26+$0x830]  }
0x27b: {  	s30 =	sand.u32 $0x40, s24;
	s31 =	sand.u32 $0x400, s25;
	v4 =	vld [tilespmem:s26+$0x800]  }
0x27c: {  	s0 =	sor.u32 s31, s30;
	v6 =	vld [tilespmem:s26+$0x810]  }
0x27d: {  	s23 =	sor.u32 s22, s0;
	v5 =	vld [tilespmem:s26+$0x820]  }
0x27e: {  	v7 =	vld [tilespmem:s23+$0x830]  }
0x27f: {  	[tilespmem:s26+$0x3830] =	vst.add.f32.msk $0xffff, v3  }
0x280: {  	[tilespmem:s26+$0x3800] =	vst.add.f32.msk $0xffff, v4  }
0x281: {  	[tilespmem:s26+$0x3810] =	vst.add.f32.msk $0xffff, v6  }
0x282: {  	v6 =	vld [tilespmem:s23+$0x800]  }
0x283: {  	v4 =	vld [tilespmem:s23+$0x810]  }
0x284: {  	v3 =	vld [tilespmem:s23+$0x820]  }
.LBB2_63:
0x285: {  	s24 =	sadd.s32 $0x40, s24;
	s25 =	sadd.s32 $0x200, s25;
	[tilespmem:s26+$0x3820] =	vst.add.f32.msk $0xffff, v5  }
0x286: {  	s0 =	sand.u32 $0x40, s24;
	s1 =	sand.u32 $0x400, s25;
	p0 =	slt.u32 s24, $0xC0;
	[tilespmem:s23+$0x3830] =	vst.add.f32.msk $0xffff, v7  }
0x287: {  	s26 =	smov.u32 s23;
	s0 =	sor.u32 s1, s0;
	[tilespmem:s23+$0x3800] =	vst.add.f32.msk $0xffff, v6  }
.Ltmp42:
0x288: {  	s23 =	sor.u32 s22, s0;
	[tilespmem:s26+$0x3810] =	vst.add.f32.msk $0xffff, v4;
	(pc) =	sbr.rel @p0 .LBB2_63-.Ltmp42, $4  }
0x289: {  	v7 =	vld [tilespmem:s23+$0x830];
	v5 =	vmov v3  }
0x28a: {  	v6 =	vld [tilespmem:s23+$0x800]  }
0x28b: {  	v4 =	vld [tilespmem:s23+$0x810]  }
0x28c: {  	v3 =	vld [tilespmem:s23+$0x820]  }
0x28d: {  	s0 =	simm.s32 $0x0;
	[tilespmem:s26+$0x3820] =	vst.add.f32.msk $0xffff, v5  }
0x28e: {  	[tilespmem:s23+$0x3830] =	vst.add.f32.msk $0xffff, v7;
	s24 =	sand.u32 $0x400, s0  }
0x28f: {  	[tilespmem:s23+$0x3800] =	vst.add.f32.msk $0xffff, v6;
	s1 =	sor.u32 s22, s24  }
0x290: {  	p1 =	por $0x1, $0x1;
	[tilespmem:s23+$0x3810] =	vst.add.f32.msk $0xffff, v4;
	s0 =	sor.u32 s0, s1  }
.Ltmp43:
0x291: {  	[tilespmem:s23+$0x3820] =	vst.add.f32.msk $0xffff, v3;
	s25 =	sor.u32 $0xA0, s0;
	(pc) =	sbr.rel @!p1 .LBB2_65-.Ltmp43, $4  }
0x292: {  	s28 =	sor.u32 $0xB0, s0;
	v6 =	vld [tilespmem:s25+$0x800]  }
0x293: {  	s26 =	sor.u32 $0x80, s0;
	v3 =	vld [tilespmem:s28+$0x800]  }
0x294: {  	s29 =	sor.u32 $0x90, s0;
	v4 =	vld [tilespmem:s26+$0x800]  }
0x295: {  	p0 =	por $0x0, $0x0;
	s0 =	simm.s32 $0x40;
	s23 =	simm.s32 $0x200;
	v5 =	vld [tilespmem:s29+$0x800]  }
0x296: {  	_ = 	snop  }
0x297: {  	s1 =	sand.u32 $0x400, s23  }
0x298: {  	s1 =	sor.u32 s22, s1;
	[tilespmem:s28+$0x3800] =	vst.add.f32.msk $0xffff, v3  }
0x299: {  	p2 =	por $0x1, $0x1;
	s0 =	sor.u32 s0, s1;
	[tilespmem:s26+$0x3800] =	vst.add.f32.msk $0xffff, v4  }
.Ltmp44:
0x29a: {  	s28 =	sor.u32 $0xB0, s0;
	[tilespmem:s29+$0x3800] =	vst.add.f32.msk $0xffff, v5;
	(pc) =	sbr.rel @!p2 .LBB2_67-.Ltmp44, $4  }
0x29b: {  	s26 =	sor.u32 $0x80, s0;
	v3 =	vld [tilespmem:s28+$0x800]  }
0x29c: {  	s9 =	sor.u32 $0xA0, s0;
	v4 =	vld [tilespmem:s26+$0x800]  }
0x29d: {  	s29 =	sor.u32 $0x90, s0;
	v7 =	vld [tilespmem:s9+$0x800]  }
0x29e: {  	p1 =	por $0x1, $0x1;
	s1 =	simm.s32 $0x400;
	s0 =	simm.s32 $0x80;
	v5 =	vld [tilespmem:s29+$0x800]  }
.LBB2_68:
0x29f: {  	s4 =	sand.u32 $0x400, s1  }
0x2a0: {  	p2 =	slt.u32 s0, $0xC0;
	[tilespmem:s25+$0x3800] =	vst.add.f32.msk $0xffff, v6;
	s25 =	smov.u32 s9;
	s4 =	sor.u32 s22, s4  }
0x2a1: {  	[tilespmem:s28+$0x3800] =	vst.add.f32.msk $0xffff, v3;
	s4 =	sor.u32 s0, s4  }
0x2a2: {  	[tilespmem:s26+$0x3800] =	vst.add.f32.msk $0xffff, v4;
	s26 =	sor.u32 $0x80, s4  }
.Ltmp45:
0x2a3: {  	s28 =	sor.u32 $0xB0, s4;
	[tilespmem:s29+$0x3800] =	vst.add.f32.msk $0xffff, v5;
	s29 =	sor.u32 $0x90, s4;
	(pc) =	sbr.rel @p2 .LBB2_68-.Ltmp45, $4  }
0x2a4: {  	s9 =	sor.u32 $0xA0, s4;
	v3 =	vld [tilespmem:s28+$0x800];
	v6 =	vmov v7  }
0x2a5: {  	v4 =	vld [tilespmem:s26+$0x800]  }
0x2a6: {  	v5 =	vld [tilespmem:s29+$0x800]  }
0x2a7: {  	s1 =	sadd.s32 $0x200, s1;
	s0 =	sadd.s32 $0x40, s0;
	v7 =	vld [tilespmem:s9+$0x800]  }
0x2a8: {  	_ =	sdelay $0x3  }
0x2a9: {  	v8 =	vmov v6;
	s0 =	smov.u32 s25;
	s25 =	smov.u32 s9;
	v6 =	vmov v7  }
.LBB2_70:
0x2aa: {  	[tilespmem:s0+$0x3800] =	vst.add.f32.msk @p1 $0xffff, v8;
	s31 =	simm.s32 $0x0  }
0x2ab: {  	[tilespmem:s28+$0x3800] =	vst.add.f32.msk $0xffff, v3;
	s0 =	sand.u32 $0x40, s31  }
0x2ac: {  	[tilespmem:s26+$0x3800] =	vst.add.f32.msk $0xffff, v4;
	s0 =	sor.u32 s24, s0  }
0x2ad: {  	[tilespmem:s25+$0x3800] =	vst.add.f32.msk $0xffff, v6;
	p1 =	por $0x1, $0x1;
	s24 =	sor.u32 s22, s0  }
.Ltmp46:
0x2ae: {  	v6 =	vld [tilespmem:s24+$0x920];
	(pc) =	sbr.rel @!p1 .LBB2_71-.Ltmp46, $4  }
0x2af: {  	[tilespmem:s29+$0x3800] =	vst.add.f32.msk $0xffff, v5  }
0x2b0: {  	v5 =	vld [tilespmem:s24+$0x930]  }
0x2b1: {  	v4 =	vld [tilespmem:s24+$0x900]  }
0x2b2: {  	v3 =	vld [tilespmem:s24+$0x910]  }
0x2b3: {  	_ = 	snop  }
0x2b4: {  	s25 =	simm.s32 $0x40  }
0x2b5: {  	s1 =	sand.u32 $0x400, s23;
	s0 =	sand.u32 $0x40, s25;
	[tilespmem:s24+$0x3930] =	vst.add.f32.msk $0xffff, v5  }
0x2b6: {  	p1 =	por $0x1, $0x1;
	s0 =	sor.u32 s1, s0;
	[tilespmem:s24+$0x3900] =	vst.add.f32.msk $0xffff, v4  }
.Ltmp47:
0x2b7: {  	s26 =	sor.u32 s22, s0;
	[tilespmem:s24+$0x3910] =	vst.add.f32.msk $0xffff, v3;
	(pc) =	sbr.rel @!p1 .LBB2_73-.Ltmp47, $4  }
0x2b8: {  	v5 =	vld [tilespmem:s26+$0x930]  }
0x2b9: {  	v4 =	vld [tilespmem:s26+$0x900]  }
0x2ba: {  	v3 =	vld [tilespmem:s26+$0x910]  }
0x2bb: {  	p0 =	por $0x1, $0x1;
	v7 =	vld [tilespmem:s26+$0x920]  }
.LBB2_74:
0x2bc: {  	s25 =	sadd.s32 $0x40, s25;
	s23 =	sadd.s32 $0x200, s23;
	[tilespmem:s24+$0x3920] =	vst.add.f32.msk $0xffff, v6  }
0x2bd: {  	s0 =	sand.u32 $0x40, s25;
	s1 =	sand.u32 $0x400, s23;
	p1 =	slt.u32 s25, $0xC0;
	[tilespmem:s26+$0x3930] =	vst.add.f32.msk $0xffff, v5  }
0x2be: {  	s24 =	smov.u32 s26;
	s0 =	sor.u32 s1, s0;
	[tilespmem:s26+$0x3900] =	vst.add.f32.msk $0xffff, v4  }
.Ltmp48:
0x2bf: {  	s26 =	sor.u32 s22, s0;
	[tilespmem:s24+$0x3910] =	vst.add.f32.msk $0xffff, v3;
	(pc) =	sbr.rel @p1 .LBB2_74-.Ltmp48, $4  }
0x2c0: {  	v5 =	vld [tilespmem:s26+$0x930];
	v6 =	vmov v7  }
0x2c1: {  	v4 =	vld [tilespmem:s26+$0x900]  }
0x2c2: {  	v3 =	vld [tilespmem:s26+$0x910]  }
0x2c3: {  	v7 =	vld [tilespmem:s26+$0x920]  }
0x2c4: {  	_ =	sdelay $0x3  }
0x2c5: {  	v8 =	vmov v6;
	s0 =	smov.u32 s24;
	s24 =	smov.u32 s26;
	v6 =	vmov v7  }
.LBB2_76:
0x2c6: {  	s1 =	simm.s32 $0x0;
	[tilespmem:s0+$0x3920] =	vst.add.f32.msk @p0 $0xffff, v8  }
0x2c7: {  	[tilespmem:s24+$0x3930] =	vst.add.f32.msk $0xffff, v5;
	s31 =	sand.u32 $0x400, s1  }
0x2c8: {  	[tilespmem:s24+$0x3900] =	vst.add.f32.msk $0xffff, v4;
	s0 =	sor.u32 s22, s31  }
0x2c9: {  	[tilespmem:s24+$0x3910] =	vst.add.f32.msk $0xffff, v3;
	p1 =	por $0x1, $0x1;
	s0 =	sor.u32 s1, s0  }
.Ltmp49:
0x2ca: {  	[tilespmem:s24+$0x3920] =	vst.add.f32.msk $0xffff, v6;
	s23 =	sor.u32 $0x1A0, s0;
	(pc) =	sbr.rel @!p1 .LBB2_77-.Ltmp49, $4  }
0x2cb: {  	s25 =	sor.u32 $0x1B0, s0;
	v6 =	vld [tilespmem:s23+$0x800]  }
0x2cc: {  	s24 =	sor.u32 $0x180, s0;
	v3 =	vld [tilespmem:s25+$0x800]  }
0x2cd: {  	s26 =	sor.u32 $0x190, s0;
	v4 =	vld [tilespmem:s24+$0x800]  }
0x2ce: {  	p0 =	por $0x0, $0x0;
	s1 =	simm.s32 $0x200;
	s0 =	simm.s32 $0x40;
	v5 =	vld [tilespmem:s26+$0x800]  }
0x2cf: {  	_ = 	snop  }
0x2d0: {  	s1 =	sand.u32 $0x400, s1  }
0x2d1: {  	s1 =	sor.u32 s22, s1;
	[tilespmem:s25+$0x3800] =	vst.add.f32.msk $0xffff, v3  }
0x2d2: {  	p1 =	por $0x1, $0x1;
	s0 =	sor.u32 s0, s1;
	[tilespmem:s24+$0x3800] =	vst.add.f32.msk $0xffff, v4  }
.Ltmp50:
0x2d3: {  	s25 =	sor.u32 $0x1B0, s0;
	[tilespmem:s26+$0x3800] =	vst.add.f32.msk $0xffff, v5;
	(pc) =	sbr.rel @!p1 .LBB2_79-.Ltmp50, $4  }
0x2d4: {  	s24 =	sor.u32 $0x180, s0;
	v3 =	vld [tilespmem:s25+$0x800]  }
0x2d5: {  	s9 =	sor.u32 $0x1A0, s0;
	v4 =	vld [tilespmem:s24+$0x800]  }
0x2d6: {  	s26 =	sor.u32 $0x190, s0;
	v7 =	vld [tilespmem:s9+$0x800]  }
0x2d7: {  	p0 =	por $0x1, $0x1;
	s1 =	simm.s32 $0x400;
	s0 =	simm.s32 $0x80;
	v5 =	vld [tilespmem:s26+$0x800]  }
.LBB2_80:
0x2d8: {  	s4 =	sand.u32 $0x400, s1  }
0x2d9: {  	p1 =	slt.u32 s0, $0xC0;
	[tilespmem:s23+$0x3800] =	vst.add.f32.msk $0xffff, v6;
	s23 =	smov.u32 s9;
	s4 =	sor.u32 s22, s4  }
0x2da: {  	[tilespmem:s25+$0x3800] =	vst.add.f32.msk $0xffff, v3;
	s4 =	sor.u32 s0, s4  }
0x2db: {  	[tilespmem:s24+$0x3800] =	vst.add.f32.msk $0xffff, v4;
	s24 =	sor.u32 $0x180, s4  }
.Ltmp51:
0x2dc: {  	s25 =	sor.u32 $0x1B0, s4;
	[tilespmem:s26+$0x3800] =	vst.add.f32.msk $0xffff, v5;
	s26 =	sor.u32 $0x190, s4;
	(pc) =	sbr.rel @p1 .LBB2_80-.Ltmp51, $4  }
0x2dd: {  	s9 =	sor.u32 $0x1A0, s4;
	v3 =	vld [tilespmem:s25+$0x800];
	v6 =	vmov v7  }
0x2de: {  	v4 =	vld [tilespmem:s24+$0x800]  }
0x2df: {  	v5 =	vld [tilespmem:s26+$0x800]  }
0x2e0: {  	s1 =	sadd.s32 $0x200, s1;
	s0 =	sadd.s32 $0x40, s0;
	v7 =	vld [tilespmem:s9+$0x800]  }
0x2e1: {  	_ =	sdelay $0x3  }
0x2e2: {  	v8 =	vmov v6;
	s0 =	smov.u32 s23;
	s23 =	smov.u32 s9;
	v6 =	vmov v7  }
.LBB2_82:
0x2e3: {  	[tilespmem:s0+$0x3800] =	vst.add.f32.msk @p0 $0xffff, v8;
	p0 =	slt.u32 s21, $0x14  }
.Ltmp52:
0x2e4: {  	_ = 	snop;
	(pc) =	sbr.rel @p0 .LBB2_62-.Ltmp52, $4  }
.Ltmp53:
0x2e5: {  	[tilespmem:s25+$0x3800] =	vst.add.f32.msk $0xffff, v3;
	(pc) =	sbr.rel @!p0 .LBB2_83-.Ltmp53, $4  }
0x2e6: {  	[tilespmem:s24+$0x3800] =	vst.add.f32.msk $0xffff, v4  }
0x2e7: {  	[tilespmem:s26+$0x3800] =	vst.add.f32.msk $0xffff, v5;
	s31 =	sadd.s32 $0x4, s21  }
0x2e8: {  	[tilespmem:s23+$0x3800] =	vst.add.f32.msk $0xffff, v6;
	s21 =	smov.u32 s31  }
0x2e9: {  	_ = 	snop  }
.LBB2_65:
.Ltmp54:
0x2ea: {  	(pc) =	sbr.rel .LBB2_70-.Ltmp54, $2  }
0x2eb: {  	_ =	sdelay $0x2  }
0x2ec: {  	p1 =	por $0x0, $0x0  }
.LBB2_71:
.Ltmp55:
0x2ed: {  	(pc) =	sbr.rel .LBB2_76-.Ltmp55, $2  }
0x2ee: {  	_ =	sdelay $0x2  }
0x2ef: {  	_ = 	snop  }
.LBB2_77:
.Ltmp56:
0x2f0: {  	(pc) =	sbr.rel .LBB2_82-.Ltmp56, $2  }
0x2f1: {  	_ =	sdelay $0x2  }
0x2f2: {  	_ = 	snop  }
.LBB2_67:
.Ltmp57:
0x2f3: {  	(pc) =	sbr.rel .LBB2_70-.Ltmp57, $2  }
0x2f4: {  	_ =	sdelay $0x2  }
0x2f5: {  	v8 =	vmov v6;
	s0 =	smov.u32 s25;
	s25 =	smov.u32 s9;
	v6 =	vmov v7  }
.LBB2_73:
.Ltmp58:
0x2f6: {  	_ = 	snop;
	(pc) =	sbr.rel .LBB2_76-.Ltmp58, $2  }
0x2f7: {  	_ =	sdelay $0x2  }
0x2f8: {  	v8 =	vmov v6;
	s0 =	smov.u32 s24;
	s24 =	smov.u32 s26;
	v6 =	vmov v7  }
.LBB2_79:
.Ltmp59:
0x2f9: {  	(pc) =	sbr.rel .LBB2_82-.Ltmp59, $2  }
0x2fa: {  	_ =	sdelay $0x2  }
0x2fb: {  	v8 =	vmov v6;
	s0 =	smov.u32 s23;
	s23 =	smov.u32 s9;
	v6 =	vmov v7  }
.LBB2_83:
0x2fc: {  	v3 =	vld [tilespmem:$0x380];
	_ =	sdelay $0x4  }
0x2fd: {  	v4 =	vshll.u32 v3, $0x1  }
0x2fe: {  	v3 =	vand.u32 $0x7, v3;
	v4 =	vand.u32 $0xFFFFFFF0, v4  }
0x2ff: {  	v3 =	vor.u32 v3, v4  }
0x300: {  	v4 =	vperm.xlane v3, v0;
	_ =	sdelay $0x1  }
0x301: {  	v3 =	vperm.xlane v3, v2;
	v4 =	vadd.s32 v1, v4;
	_ =	sdelay $0x1  }
0x302: {  	v3 =	vadd.s32 v1, v3;
	_ =	sdelay $0x1  }
0x303: {  	s20 =	simm.s32 $0x0;
	s0 =	simm.s32 $0x800  }
0x304: {  	[tilespmem:s0], [sflag:$0x1] =	stream.indirect_vreg.gather [hbm4b:s3+s20], $0x80, v4, vm0, $0xb8;
	[tilespmem:$0x5000] =	vst v63  }
0x305: {  	_ = 	snop  }
0x306: {  	[tilespmem:s13], [sflag:$0x1] =	stream.indirect_vreg.gather [hbm4b:s3+s20], $0x80, v3, vm0, $0xb8;
	[tilespmem:$0x5000] =	vst v63  }
0x307: {  	v3 =	vld.msk [tilespmem:$0x390], $0xff;
	_ =	sdelay $0x4  }
0x308: {  	v63 =	vshll.u32 v3, $0x1  }
0x309: {  	v3 =	vand.u32 $0x7, v3;
	v4 =	vand.u32 $0xFFFFFFF0, v63  }
0x30a: {  	v3 =	vor.u32 v3, v4  }
0x30b: {  	v3 =	vperm.xlane v3, v0;
	_ =	sdelay $0x1  }
0x30c: {  	v3 =	vadd.s32 v1, v3;
	_ =	sdelay $0x4  }
0x30d: {  	[tilespmem:s14], [sflag:$0x1] =	stream.indirect_vreg.gather [hbm4b:s3+s20], $0x80, v3, vm0, $0xb8;
	[tilespmem:$0x5000] =	vst v63  }
0x30e: {  	_ =	swait.ge [sflag:s18], $0x1800  }
0x30f: {  	[sflag:s18] =	ssyncset.done $0x0  }
0x310: {  	s21 =	simm.s32 $0x0;
	[sflag:s18] =	ssyncadd.s32 $0xFFFFE800  }
.LBB2_84:
0x311: {  	s0 =	sshll.u32 s21, $0x8  }
0x312: {  	s1 =	sshll.u32 s21, $0x7;
	s0 =	sand.u32 $0x1800, s0  }
0x313: {  	s22 =	simm.s32 $0x0;
	s24 =	sand.u32 $0x200, s1;
	s23 =	sor.u32 $0x2000, s0  }
0x314: {  	s4 =	sand.u32 $0x400, s20;
	s1 =	sand.u32 $0x40, s22;
	s25 =	sor.u32 s24, s23  }
0x315: {  	s6 =	sor.u32 $0x10, s1;
	s5 =	sadd.s32 s4, s25  }
0x316: {  	s9 =	sor.u32 $0x20, s1;
	s8 =	sadd.s32 s6, s5  }
0x317: {  	s10 =	sor.u32 $0x30, s1;
	s26 =	sadd.s32 s9, s5;
	v3 =	vld [tilespmem:s8+$0x0]  }
0x318: {  	s22 =	sadd.s32 $0x3800, s0;
	s12 =	sadd.s32 s10, s5;
	v5 =	vld [tilespmem:s26+$0x0]  }
0x319: {  	s26 =	sor.u32 s24, s22;
	v6 =	vld [tilespmem:s12+$0x0]  }
0x31a: {  	s8 =	sadd.s32 s1, s5;
	s4 =	sadd.s32 s4, s26  }
0x31b: {  	s28 =	simm.s32 $0x40;
	s29 =	simm.s32 $0x200;
	v4 =	vld [tilespmem:s8+$0x0];
	s5 =	sadd.s32 s6, s4  }
0x31c: {  	s8 =	sand.u32 $0x400, s29;
	s12 =	sadd.s32 s9, s4;
	s6 =	sand.u32 $0x40, s28;
	[tilespmem:s5+$0x0] =	vst.add.f32.msk $0xffff, v3  }
0x31d: {  	s9 =	sadd.s32 s8, s25;
	s5 =	sadd.s32 s10, s4;
	s10 =	sor.u32 $0x10, s6;
	[tilespmem:s12+$0x0] =	vst.add.f32.msk $0xffff, v5  }
0x31e: {  	s12 =	sor.u32 $0x20, s6;
	s0 =	sadd.s32 s10, s9;
	[tilespmem:s5+$0x0] =	vst.add.f32.msk $0xffff, v6  }
0x31f: {  	s5 =	sor.u32 $0x30, s6;
	v6 =	vld [tilespmem:s0+$0x0];
	s0 =	sadd.s32 s12, s9  }
0x320: {  	s8 =	sadd.s32 s8, s26;
	v5 =	vld [tilespmem:s0+$0x0];
	s0 =	sadd.s32 s5, s9  }
0x321: {  	s30 =	sadd.s32 s1, s4;
	s1 =	sadd.s32 s6, s8;
	s4 =	sadd.s32 s6, s9;
	v7 =	vld [tilespmem:s0+$0x0]  }
0x322: {  	v3 =	vld [tilespmem:s4+$0x0];
	s31 =	sadd.s32 s5, s8;
	s9 =	sadd.s32 s10, s8;
	s0 =	sadd.s32 s12, s8  }
.LBB2_85:
0x323: {  	s28 =	sadd.s32 $0x40, s28;
	s29 =	sadd.s32 $0x200, s29;
	[tilespmem:s30+$0x0] =	vst.add.f32.msk $0xffff, v4;
	s30 =	smov.u32 s1  }
0x324: {  	s1 =	sand.u32 $0x40, s28;
	s4 =	sand.u32 $0x400, s29;
	p0 =	slt.u32 s28, $0xC0;
	[tilespmem:s9+$0x0] =	vst.add.f32.msk $0xffff, v6  }
0x325: {  	s5 =	sadd.s32 s4, s25;
	s6 =	sor.u32 $0x10, s1;
	s8 =	sor.u32 $0x30, s1;
	[tilespmem:s0+$0x0] =	vst.add.f32.msk $0xffff, v5  }
.Ltmp60:
0x326: {  	s10 =	sor.u32 $0x20, s1;
	s0 =	sadd.s32 s6, s5;
	[tilespmem:s31+$0x0] =	vst.add.f32.msk $0xffff, v7;
	(pc) =	sbr.rel @p0 .LBB2_85-.Ltmp60, $4  }
0x327: {  	s4 =	sadd.s32 s4, s26;
	s12 =	sadd.s32 s1, s5;
	v6 =	vld [tilespmem:s0+$0x0];
	s0 =	sadd.s32 s10, s5;
	v4 =	vmov v3  }
0x328: {  	s9 =	sadd.s32 s6, s4;
	s5 =	sadd.s32 s8, s5;
	v5 =	vld [tilespmem:s0+$0x0];
	s0 =	sadd.s32 s10, s4  }
0x329: {  	s1 =	sadd.s32 s1, s4;
	s31 =	sadd.s32 s8, s4;
	v7 =	vld [tilespmem:s5+$0x0]  }
0x32a: {  	v3 =	vld [tilespmem:s12+$0x0]  }
0x32b: {  	[tilespmem:s30+$0x0] =	vst.add.f32.msk $0xffff, v4;
	s4 =	sor.u32 $0x80, s24;
	s5 =	simm.s32 $0x0;
	s6 =	simm.s32 $0x0  }
0x32c: {  	[tilespmem:s9+$0x0] =	vst.add.f32.msk $0xffff, v6;
	s25 =	sadd.s32 s4, s23;
	s6 =	sand.u32 $0x40, s6;
	s5 =	sand.u32 $0x400, s5  }
0x32d: {  	[tilespmem:s0+$0x0] =	vst.add.f32.msk $0xffff, v5;
	s0 =	sadd.s32 s5, s25;
	s8 =	sor.u32 $0x10, s6  }
0x32e: {  	s12 =	sor.u32 $0x30, s6;
	[tilespmem:s31+$0x0] =	vst.add.f32.msk $0xffff, v7;
	s26 =	sadd.s32 s8, s0  }
0x32f: {  	s10 =	sor.u32 $0x20, s6;
	s9 =	sadd.s32 s12, s0;
	v5 =	vld [tilespmem:s26+$0x0]  }
0x330: {  	s26 =	sadd.s32 s10, s0;
	v7 =	vld [tilespmem:s9+$0x0]  }
0x331: {  	v6 =	vld [tilespmem:s26+$0x0];
	s26 =	sadd.s32 s4, s22  }
0x332: {  	[tilespmem:s1+$0x0] =	vst.add.f32.msk $0xffff, v3;
	s0 =	sadd.s32 s6, s0;
	s1 =	sadd.s32 s5, s26  }
0x333: {  	s28 =	simm.s32 $0x40;
	s29 =	simm.s32 $0x200;
	v4 =	vld [tilespmem:s0+$0x0];
	s9 =	sadd.s32 s8, s1  }
0x334: {  	s5 =	sand.u32 $0x40, s28;
	s8 =	sand.u32 $0x400, s29;
	s4 =	sadd.s32 s12, s1;
	[tilespmem:s9+$0x0] =	vst.add.f32.msk $0xffff, v5  }
0x335: {  	s0 =	sadd.s32 s10, s1;
	s10 =	sor.u32 $0x10, s5;
	s9 =	sadd.s32 s8, s25;
	[tilespmem:s4+$0x0] =	vst.add.f32.msk $0xffff, v7  }
0x336: {  	s12 =	sor.u32 $0x20, s5;
	[tilespmem:s0+$0x0] =	vst.add.f32.msk $0xffff, v6;
	s0 =	sadd.s32 s10, s9  }
0x337: {  	s4 =	sor.u32 $0x30, s5;
	v6 =	vld [tilespmem:s0+$0x0];
	s0 =	sadd.s32 s12, s9  }
0x338: {  	s8 =	sadd.s32 s8, s26;
	v5 =	vld [tilespmem:s0+$0x0];
	s0 =	sadd.s32 s4, s9  }
0x339: {  	s30 =	sadd.s32 s6, s1;
	s6 =	sadd.s32 s5, s9;
	s1 =	sadd.s32 s5, s8;
	v7 =	vld [tilespmem:s0+$0x0]  }
0x33a: {  	s31 =	sadd.s32 s4, s8;
	v3 =	vld [tilespmem:s6+$0x0];
	s9 =	sadd.s32 s10, s8;
	s0 =	sadd.s32 s12, s8  }
.LBB2_87:
0x33b: {  	s28 =	sadd.s32 $0x40, s28;
	s29 =	sadd.s32 $0x200, s29;
	[tilespmem:s30+$0x0] =	vst.add.f32.msk $0xffff, v4;
	s30 =	smov.u32 s1  }
0x33c: {  	s1 =	sand.u32 $0x40, s28;
	s4 =	sand.u32 $0x400, s29;
	p0 =	slt.u32 s28, $0xC0;
	[tilespmem:s9+$0x0] =	vst.add.f32.msk $0xffff, v6  }
0x33d: {  	s5 =	sadd.s32 s4, s25;
	s6 =	sor.u32 $0x10, s1;
	s8 =	sor.u32 $0x30, s1;
	[tilespmem:s0+$0x0] =	vst.add.f32.msk $0xffff, v5  }
.Ltmp61:
0x33e: {  	s10 =	sor.u32 $0x20, s1;
	s0 =	sadd.s32 s6, s5;
	[tilespmem:s31+$0x0] =	vst.add.f32.msk $0xffff, v7;
	(pc) =	sbr.rel @p0 .LBB2_87-.Ltmp61, $4  }
0x33f: {  	s4 =	sadd.s32 s4, s26;
	s12 =	sadd.s32 s1, s5;
	v6 =	vld [tilespmem:s0+$0x0];
	s0 =	sadd.s32 s10, s5;
	v4 =	vmov v3  }
0x340: {  	s9 =	sadd.s32 s6, s4;
	s5 =	sadd.s32 s8, s5;
	v5 =	vld [tilespmem:s0+$0x0];
	s0 =	sadd.s32 s10, s4  }
0x341: {  	s1 =	sadd.s32 s1, s4;
	s31 =	sadd.s32 s8, s4;
	v7 =	vld [tilespmem:s5+$0x0]  }
0x342: {  	v3 =	vld [tilespmem:s12+$0x0]  }
0x343: {  	[tilespmem:s30+$0x0] =	vst.add.f32.msk $0xffff, v4;
	s4 =	sor.u32 $0x100, s24;
	s5 =	simm.s32 $0x0;
	s6 =	simm.s32 $0x0  }
0x344: {  	[tilespmem:s9+$0x0] =	vst.add.f32.msk $0xffff, v6;
	s25 =	sadd.s32 s4, s23;
	s6 =	sand.u32 $0x40, s6;
	s5 =	sand.u32 $0x400, s5  }
0x345: {  	[tilespmem:s0+$0x0] =	vst.add.f32.msk $0xffff, v5;
	s0 =	sadd.s32 s5, s25;
	s8 =	sor.u32 $0x10, s6  }
0x346: {  	s12 =	sor.u32 $0x30, s6;
	[tilespmem:s31+$0x0] =	vst.add.f32.msk $0xffff, v7;
	s26 =	sadd.s32 s8, s0  }
0x347: {  	s10 =	sor.u32 $0x20, s6;
	s9 =	sadd.s32 s12, s0;
	v5 =	vld [tilespmem:s26+$0x0]  }
0x348: {  	s26 =	sadd.s32 s10, s0;
	v7 =	vld [tilespmem:s9+$0x0]  }
0x349: {  	v6 =	vld [tilespmem:s26+$0x0];
	s26 =	sadd.s32 s4, s22  }
0x34a: {  	[tilespmem:s1+$0x0] =	vst.add.f32.msk $0xffff, v3;
	s0 =	sadd.s32 s6, s0;
	s1 =	sadd.s32 s5, s26  }
0x34b: {  	s28 =	simm.s32 $0x40;
	s29 =	simm.s32 $0x200;
	v4 =	vld [tilespmem:s0+$0x0];
	s9 =	sadd.s32 s8, s1  }
0x34c: {  	s5 =	sand.u32 $0x40, s28;
	s8 =	sand.u32 $0x400, s29;
	s4 =	sadd.s32 s12, s1;
	[tilespmem:s9+$0x0] =	vst.add.f32.msk $0xffff, v5  }
0x34d: {  	s0 =	sadd.s32 s10, s1;
	s10 =	sor.u32 $0x10, s5;
	s9 =	sadd.s32 s8, s25;
	[tilespmem:s4+$0x0] =	vst.add.f32.msk $0xffff, v7  }
0x34e: {  	s12 =	sor.u32 $0x20, s5;
	[tilespmem:s0+$0x0] =	vst.add.f32.msk $0xffff, v6;
	s0 =	sadd.s32 s10, s9  }
0x34f: {  	s4 =	sor.u32 $0x30, s5;
	v6 =	vld [tilespmem:s0+$0x0];
	s0 =	sadd.s32 s12, s9  }
0x350: {  	s8 =	sadd.s32 s8, s26;
	v5 =	vld [tilespmem:s0+$0x0];
	s0 =	sadd.s32 s4, s9  }
0x351: {  	s30 =	sadd.s32 s6, s1;
	s6 =	sadd.s32 s5, s9;
	s1 =	sadd.s32 s5, s8;
	v7 =	vld [tilespmem:s0+$0x0]  }
0x352: {  	s31 =	sadd.s32 s4, s8;
	v3 =	vld [tilespmem:s6+$0x0];
	s9 =	sadd.s32 s10, s8;
	s0 =	sadd.s32 s12, s8  }
.LBB2_89:
0x353: {  	s28 =	sadd.s32 $0x40, s28;
	s29 =	sadd.s32 $0x200, s29;
	[tilespmem:s30+$0x0] =	vst.add.f32.msk $0xffff, v4;
	s30 =	smov.u32 s1  }
0x354: {  	s1 =	sand.u32 $0x40, s28;
	s4 =	sand.u32 $0x400, s29;
	p0 =	slt.u32 s28, $0xC0;
	[tilespmem:s9+$0x0] =	vst.add.f32.msk $0xffff, v6  }
0x355: {  	s5 =	sadd.s32 s4, s25;
	s6 =	sor.u32 $0x10, s1;
	s8 =	sor.u32 $0x30, s1;
	[tilespmem:s0+$0x0] =	vst.add.f32.msk $0xffff, v5  }
.Ltmp62:
0x356: {  	s10 =	sor.u32 $0x20, s1;
	s0 =	sadd.s32 s6, s5;
	[tilespmem:s31+$0x0] =	vst.add.f32.msk $0xffff, v7;
	(pc) =	sbr.rel @p0 .LBB2_89-.Ltmp62, $4  }
0x357: {  	s4 =	sadd.s32 s4, s26;
	s12 =	sadd.s32 s1, s5;
	v6 =	vld [tilespmem:s0+$0x0];
	s0 =	sadd.s32 s10, s5;
	v4 =	vmov v3  }
0x358: {  	s9 =	sadd.s32 s6, s4;
	s5 =	sadd.s32 s8, s5;
	v5 =	vld [tilespmem:s0+$0x0];
	s0 =	sadd.s32 s10, s4  }
0x359: {  	s1 =	sadd.s32 s1, s4;
	s31 =	sadd.s32 s8, s4;
	v7 =	vld [tilespmem:s5+$0x0]  }
0x35a: {  	v3 =	vld [tilespmem:s12+$0x0]  }
0x35b: {  	[tilespmem:s30+$0x0] =	vst.add.f32.msk $0xffff, v4;
	s4 =	sor.u32 $0x180, s24;
	s5 =	simm.s32 $0x0;
	s6 =	simm.s32 $0x0  }
0x35c: {  	[tilespmem:s9+$0x0] =	vst.add.f32.msk $0xffff, v6;
	s23 =	sadd.s32 s4, s23;
	s6 =	sand.u32 $0x40, s6;
	s5 =	sand.u32 $0x400, s5  }
0x35d: {  	[tilespmem:s0+$0x0] =	vst.add.f32.msk $0xffff, v5;
	s25 =	sadd.s32 s5, s23;
	s8 =	sor.u32 $0x10, s6  }
0x35e: {  	s10 =	sor.u32 $0x20, s6;
	[tilespmem:s31+$0x0] =	vst.add.f32.msk $0xffff, v7;
	s26 =	sadd.s32 s8, s25  }
0x35f: {  	s12 =	sor.u32 $0x30, s6;
	s29 =	sadd.s32 s10, s25;
	v4 =	vld [tilespmem:s26+$0x0]  }
0x360: {  	s30 =	sadd.s32 s12, s25;
	v5 =	vld [tilespmem:s29+$0x0]  }
0x361: {  	s22 =	sadd.s32 s4, s22;
	v6 =	vld [tilespmem:s30+$0x0]  }
0x362: {  	s0 =	sadd.s32 s6, s25;
	[tilespmem:s1+$0x0] =	vst.add.f32.msk $0xffff, v3;
	s1 =	sadd.s32 s5, s22  }
0x363: {  	s24 =	simm.s32 $0x40;
	s25 =	simm.s32 $0x200;
	v3 =	vld [tilespmem:s0+$0x0];
	s31 =	sadd.s32 s8, s1  }
0x364: {  	s5 =	sand.u32 $0x40, s24;
	s9 =	sand.u32 $0x400, s25;
	s8 =	sadd.s32 s10, s1;
	[tilespmem:s31+$0x0] =	vst.add.f32.msk $0xffff, v4  }
0x365: {  	s30 =	sadd.s32 s12, s1;
	s10 =	sor.u32 $0x10, s5;
	s31 =	sadd.s32 s9, s23;
	[tilespmem:s8+$0x0] =	vst.add.f32.msk $0xffff, v5  }
0x366: {  	s12 =	sor.u32 $0x20, s5;
	[tilespmem:s30+$0x0] =	vst.add.f32.msk $0xffff, v6;
	s26 =	sadd.s32 s10, s31  }
0x367: {  	s4 =	sor.u32 $0x30, s5;
	s29 =	sadd.s32 s12, s31;
	v4 =	vld [tilespmem:s26+$0x0]  }
0x368: {  	s8 =	sadd.s32 s9, s22;
	s30 =	sadd.s32 s4, s31;
	v5 =	vld [tilespmem:s29+$0x0]  }
0x369: {  	s31 =	sadd.s32 s5, s31;
	s0 =	sadd.s32 s12, s8;
	s28 =	sadd.s32 s5, s8;
	v7 =	vld [tilespmem:s30+$0x0]  }
0x36a: {  	s9 =	sadd.s32 s4, s8;
	s26 =	sadd.s32 s6, s1;
	s1 =	sadd.s32 s10, s8;
	v6 =	vld [tilespmem:s31+$0x0]  }
.LBB2_91:
0x36b: {  	s24 =	sadd.s32 $0x40, s24;
	s25 =	sadd.s32 $0x200, s25;
	[tilespmem:s26+$0x0] =	vst.add.f32.msk $0xffff, v3;
	s26 =	smov.u32 s28  }
0x36c: {  	s4 =	sand.u32 $0x40, s24;
	s5 =	sand.u32 $0x400, s25;
	p0 =	slt.u32 s24, $0xC0;
	[tilespmem:s1+$0x0] =	vst.add.f32.msk $0xffff, v4  }
0x36d: {  	s6 =	sadd.s32 s5, s23;
	s1 =	sor.u32 $0x10, s4;
	s8 =	sor.u32 $0x30, s4;
	[tilespmem:s0+$0x0] =	vst.add.f32.msk $0xffff, v5  }
.Ltmp63:
0x36e: {  	s10 =	sor.u32 $0x20, s4;
	s0 =	sadd.s32 s1, s6;
	[tilespmem:s9+$0x0] =	vst.add.f32.msk $0xffff, v7;
	(pc) =	sbr.rel @p0 .LBB2_91-.Ltmp63, $4  }
0x36f: {  	s5 =	sadd.s32 s5, s22;
	s12 =	sadd.s32 s4, s6;
	v4 =	vld [tilespmem:s0+$0x0];
	s0 =	sadd.s32 s10, s6;
	v3 =	vmov v6  }
0x370: {  	s1 =	sadd.s32 s1, s5;
	s6 =	sadd.s32 s8, s6;
	v5 =	vld [tilespmem:s0+$0x0];
	s0 =	sadd.s32 s10, s5  }
0x371: {  	s28 =	sadd.s32 s4, s5;
	s9 =	sadd.s32 s8, s5;
	v7 =	vld [tilespmem:s6+$0x0]  }
0x372: {  	v6 =	vld [tilespmem:s12+$0x0]  }
0x373: {  	p0 =	slt.u32 s21, $0x14  }
.Ltmp64:
0x374: {  	[tilespmem:s26+$0x0] =	vst.add.f32.msk $0xffff, v3;
	(pc) =	sbr.rel @p0 .LBB2_84-.Ltmp64, $4  }
0x375: {  	[tilespmem:s1+$0x0] =	vst.add.f32.msk $0xffff, v4  }
0x376: {  	[tilespmem:s0+$0x0] =	vst.add.f32.msk $0xffff, v5  }
0x377: {  	s31 =	sadd.s32 $0x4, s21;
	[tilespmem:s9+$0x0] =	vst.add.f32.msk $0xffff, v7  }
0x378: {  	s21 =	smov.u32 s31;
	[tilespmem:s28+$0x0] =	vst.add.f32.msk $0xffff, v6  }
0x379: {  	v3 =	vld [tilespmem:$0x400];
	_ =	sdelay $0x4  }
0x37a: {  	v4 =	vshll.u32 v3, $0x1  }
0x37b: {  	v3 =	vand.u32 $0x7, v3;
	v4 =	vand.u32 $0xFFFFFFF0, v4  }
0x37c: {  	v3 =	vor.u32 v3, v4  }
0x37d: {  	v4 =	vperm.xlane v3, v0;
	_ =	sdelay $0x1  }
0x37e: {  	v3 =	vperm.xlane v3, v2;
	v4 =	vadd.s32 v1, v4;
	_ =	sdelay $0x1  }
0x37f: {  	v3 =	vadd.s32 v1, v3;
	_ =	sdelay $0x1  }
0x380: {  	s20 =	simm.s32 $0x0  }
0x381: {  	[tilespmem:s15], [sflag:$0x2] =	stream.indirect_vreg.gather [hbm4b:s3+s20], $0x80, v4, vm0, $0xb8;
	[tilespmem:$0x5000] =	vst v63  }
0x382: {  	_ = 	snop  }
0x383: {  	[tilespmem:s16], [sflag:$0x2] =	stream.indirect_vreg.gather [hbm4b:s3+s20], $0x80, v3, vm0, $0xb8;
	[tilespmem:$0x5000] =	vst v63  }
0x384: {  	v3 =	vld.msk [tilespmem:$0x410], $0xff;
	_ =	sdelay $0x4  }
0x385: {  	v63 =	vshll.u32 v3, $0x1  }
0x386: {  	v3 =	vand.u32 $0x7, v3;
	v4 =	vand.u32 $0xFFFFFFF0, v63  }
0x387: {  	v3 =	vor.u32 v3, v4  }
0x388: {  	v3 =	vperm.xlane v3, v0;
	_ =	sdelay $0x1  }
0x389: {  	v3 =	vadd.s32 v1, v3;
	_ =	sdelay $0x4  }
0x38a: {  	[tilespmem:s17], [sflag:$0x2] =	stream.indirect_vreg.gather [hbm4b:s3+s20], $0x80, v3, vm0, $0xb8;
	[tilespmem:$0x5000] =	vst v63  }
0x38b: {  	_ =	swait.ge [sflag:s11], $0x1800  }
0x38c: {  	[sflag:s11] =	ssyncset.done $0x0  }
0x38d: {  	s21 =	simm.s32 $0x0;
	[sflag:s11] =	ssyncadd.s32 $0xFFFFE800  }
.LBB2_94:
0x38e: {  	s0 =	sshll.u32 s21, $0x8  }
0x38f: {  	s1 =	sshll.u32 s21, $0x7;
	s4 =	simm.s32 $0x0;
	s5 =	sand.u32 $0x400, s20  }
0x390: {  	s0 =	sand.u32 $0x1800, s0;
	s1 =	sand.u32 $0x200, s1;
	s4 =	sand.u32 $0x40, s4  }
0x391: {  	s22 =	sor.u32 s1, s0;
	s29 =	sor.u32 s5, s4  }
0x392: {  	s26 =	sor.u32 s22, s29  }
0x393: {  	s24 =	simm.s32 $0x40;
	s25 =	simm.s32 $0x200;
	v3 =	vld [tilespmem:s26+$0x830]  }
0x394: {  	s30 =	sand.u32 $0x40, s24;
	s31 =	sand.u32 $0x400, s25;
	v4 =	vld [tilespmem:s26+$0x800]  }
0x395: {  	s0 =	sor.u32 s31, s30;
	v6 =	vld [tilespmem:s26+$0x810]  }
0x396: {  	s23 =	sor.u32 s22, s0;
	v5 =	vld [tilespmem:s26+$0x820]  }
0x397: {  	v7 =	vld [tilespmem:s23+$0x830]  }
0x398: {  	[tilespmem:s26+$0x3830] =	vst.add.f32.msk $0xffff, v3  }
0x399: {  	[tilespmem:s26+$0x3800] =	vst.add.f32.msk $0xffff, v4  }
0x39a: {  	[tilespmem:s26+$0x3810] =	vst.add.f32.msk $0xffff, v6  }
0x39b: {  	v6 =	vld [tilespmem:s23+$0x800]  }
0x39c: {  	v4 =	vld [tilespmem:s23+$0x810]  }
0x39d: {  	v3 =	vld [tilespmem:s23+$0x820]  }
.LBB2_95:
0x39e: {  	s24 =	sadd.s32 $0x40, s24;
	s25 =	sadd.s32 $0x200, s25;
	[tilespmem:s26+$0x3820] =	vst.add.f32.msk $0xffff, v5  }
0x39f: {  	s0 =	sand.u32 $0x40, s24;
	s1 =	sand.u32 $0x400, s25;
	p0 =	slt.u32 s24, $0xC0;
	[tilespmem:s23+$0x3830] =	vst.add.f32.msk $0xffff, v7  }
0x3a0: {  	s26 =	smov.u32 s23;
	s0 =	sor.u32 s1, s0;
	[tilespmem:s23+$0x3800] =	vst.add.f32.msk $0xffff, v6  }
.Ltmp65:
0x3a1: {  	s23 =	sor.u32 s22, s0;
	[tilespmem:s26+$0x3810] =	vst.add.f32.msk $0xffff, v4;
	(pc) =	sbr.rel @p0 .LBB2_95-.Ltmp65, $4  }
0x3a2: {  	v7 =	vld [tilespmem:s23+$0x830];
	v5 =	vmov v3  }
0x3a3: {  	v6 =	vld [tilespmem:s23+$0x800]  }
0x3a4: {  	v4 =	vld [tilespmem:s23+$0x810]  }
0x3a5: {  	v3 =	vld [tilespmem:s23+$0x820]  }
0x3a6: {  	s0 =	simm.s32 $0x0;
	[tilespmem:s26+$0x3820] =	vst.add.f32.msk $0xffff, v5  }
0x3a7: {  	[tilespmem:s23+$0x3830] =	vst.add.f32.msk $0xffff, v7;
	s24 =	sand.u32 $0x400, s0  }
0x3a8: {  	[tilespmem:s23+$0x3800] =	vst.add.f32.msk $0xffff, v6;
	s1 =	sor.u32 s22, s24  }
0x3a9: {  	p1 =	por $0x1, $0x1;
	[tilespmem:s23+$0x3810] =	vst.add.f32.msk $0xffff, v4;
	s0 =	sor.u32 s0, s1  }
.Ltmp66:
0x3aa: {  	[tilespmem:s23+$0x3820] =	vst.add.f32.msk $0xffff, v3;
	s25 =	sor.u32 $0xA0, s0;
	(pc) =	sbr.rel @!p1 .LBB2_97-.Ltmp66, $4  }
0x3ab: {  	s28 =	sor.u32 $0xB0, s0;
	v6 =	vld [tilespmem:s25+$0x800]  }
0x3ac: {  	s26 =	sor.u32 $0x80, s0;
	v3 =	vld [tilespmem:s28+$0x800]  }
0x3ad: {  	s29 =	sor.u32 $0x90, s0;
	v4 =	vld [tilespmem:s26+$0x800]  }
0x3ae: {  	p0 =	por $0x0, $0x0;
	s0 =	simm.s32 $0x40;
	s23 =	simm.s32 $0x200;
	v5 =	vld [tilespmem:s29+$0x800]  }
0x3af: {  	_ = 	snop  }
0x3b0: {  	s1 =	sand.u32 $0x400, s23  }
0x3b1: {  	s1 =	sor.u32 s22, s1;
	[tilespmem:s28+$0x3800] =	vst.add.f32.msk $0xffff, v3  }
0x3b2: {  	p2 =	por $0x1, $0x1;
	s0 =	sor.u32 s0, s1;
	[tilespmem:s26+$0x3800] =	vst.add.f32.msk $0xffff, v4  }
.Ltmp67:
0x3b3: {  	s28 =	sor.u32 $0xB0, s0;
	[tilespmem:s29+$0x3800] =	vst.add.f32.msk $0xffff, v5;
	(pc) =	sbr.rel @!p2 .LBB2_99-.Ltmp67, $4  }
0x3b4: {  	s26 =	sor.u32 $0x80, s0;
	v3 =	vld [tilespmem:s28+$0x800]  }
0x3b5: {  	s9 =	sor.u32 $0xA0, s0;
	v4 =	vld [tilespmem:s26+$0x800]  }
0x3b6: {  	s29 =	sor.u32 $0x90, s0;
	v7 =	vld [tilespmem:s9+$0x800]  }
0x3b7: {  	p1 =	por $0x1, $0x1;
	s1 =	simm.s32 $0x400;
	s0 =	simm.s32 $0x80;
	v5 =	vld [tilespmem:s29+$0x800]  }
.LBB2_100:
0x3b8: {  	s4 =	sand.u32 $0x400, s1  }
0x3b9: {  	p2 =	slt.u32 s0, $0xC0;
	[tilespmem:s25+$0x3800] =	vst.add.f32.msk $0xffff, v6;
	s25 =	smov.u32 s9;
	s4 =	sor.u32 s22, s4  }
0x3ba: {  	[tilespmem:s28+$0x3800] =	vst.add.f32.msk $0xffff, v3;
	s4 =	sor.u32 s0, s4  }
0x3bb: {  	[tilespmem:s26+$0x3800] =	vst.add.f32.msk $0xffff, v4;
	s26 =	sor.u32 $0x80, s4  }
.Ltmp68:
0x3bc: {  	s28 =	sor.u32 $0xB0, s4;
	[tilespmem:s29+$0x3800] =	vst.add.f32.msk $0xffff, v5;
	s29 =	sor.u32 $0x90, s4;
	(pc) =	sbr.rel @p2 .LBB2_100-.Ltmp68, $4  }
0x3bd: {  	s9 =	sor.u32 $0xA0, s4;
	v3 =	vld [tilespmem:s28+$0x800];
	v6 =	vmov v7  }
0x3be: {  	v4 =	vld [tilespmem:s26+$0x800]  }
0x3bf: {  	v5 =	vld [tilespmem:s29+$0x800]  }
0x3c0: {  	s1 =	sadd.s32 $0x200, s1;
	s0 =	sadd.s32 $0x40, s0;
	v7 =	vld [tilespmem:s9+$0x800]  }
0x3c1: {  	_ =	sdelay $0x3  }
0x3c2: {  	v8 =	vmov v6;
	s0 =	smov.u32 s25;
	s25 =	smov.u32 s9;
	v6 =	vmov v7  }
.LBB2_102:
0x3c3: {  	[tilespmem:s0+$0x3800] =	vst.add.f32.msk @p1 $0xffff, v8;
	s31 =	simm.s32 $0x0  }
0x3c4: {  	[tilespmem:s28+$0x3800] =	vst.add.f32.msk $0xffff, v3;
	s0 =	sand.u32 $0x40, s31  }
0x3c5: {  	[tilespmem:s26+$0x3800] =	vst.add.f32.msk $0xffff, v4;
	s0 =	sor.u32 s24, s0  }
0x3c6: {  	[tilespmem:s25+$0x3800] =	vst.add.f32.msk $0xffff, v6;
	p1 =	por $0x1, $0x1;
	s24 =	sor.u32 s22, s0  }
.Ltmp69:
0x3c7: {  	v6 =	vld [tilespmem:s24+$0x920];
	(pc) =	sbr.rel @!p1 .LBB2_103-.Ltmp69, $4  }
0x3c8: {  	[tilespmem:s29+$0x3800] =	vst.add.f32.msk $0xffff, v5  }
0x3c9: {  	v5 =	vld [tilespmem:s24+$0x930]  }
0x3ca: {  	v4 =	vld [tilespmem:s24+$0x900]  }
0x3cb: {  	v3 =	vld [tilespmem:s24+$0x910]  }
0x3cc: {  	_ = 	snop  }
0x3cd: {  	s25 =	simm.s32 $0x40  }
0x3ce: {  	s1 =	sand.u32 $0x400, s23;
	s0 =	sand.u32 $0x40, s25;
	[tilespmem:s24+$0x3930] =	vst.add.f32.msk $0xffff, v5  }
0x3cf: {  	p1 =	por $0x1, $0x1;
	s0 =	sor.u32 s1, s0;
	[tilespmem:s24+$0x3900] =	vst.add.f32.msk $0xffff, v4  }
.Ltmp70:
0x3d0: {  	s26 =	sor.u32 s22, s0;
	[tilespmem:s24+$0x3910] =	vst.add.f32.msk $0xffff, v3;
	(pc) =	sbr.rel @!p1 .LBB2_105-.Ltmp70, $4  }
0x3d1: {  	v5 =	vld [tilespmem:s26+$0x930]  }
0x3d2: {  	v4 =	vld [tilespmem:s26+$0x900]  }
0x3d3: {  	v3 =	vld [tilespmem:s26+$0x910]  }
0x3d4: {  	p0 =	por $0x1, $0x1;
	v7 =	vld [tilespmem:s26+$0x920]  }
.LBB2_106:
0x3d5: {  	s25 =	sadd.s32 $0x40, s25;
	s23 =	sadd.s32 $0x200, s23;
	[tilespmem:s24+$0x3920] =	vst.add.f32.msk $0xffff, v6  }
0x3d6: {  	s0 =	sand.u32 $0x40, s25;
	s1 =	sand.u32 $0x400, s23;
	p1 =	slt.u32 s25, $0xC0;
	[tilespmem:s26+$0x3930] =	vst.add.f32.msk $0xffff, v5  }
0x3d7: {  	s24 =	smov.u32 s26;
	s0 =	sor.u32 s1, s0;
	[tilespmem:s26+$0x3900] =	vst.add.f32.msk $0xffff, v4  }
.Ltmp71:
0x3d8: {  	s26 =	sor.u32 s22, s0;
	[tilespmem:s24+$0x3910] =	vst.add.f32.msk $0xffff, v3;
	(pc) =	sbr.rel @p1 .LBB2_106-.Ltmp71, $4  }
0x3d9: {  	v5 =	vld [tilespmem:s26+$0x930];
	v6 =	vmov v7  }
0x3da: {  	v4 =	vld [tilespmem:s26+$0x900]  }
0x3db: {  	v3 =	vld [tilespmem:s26+$0x910]  }
0x3dc: {  	v7 =	vld [tilespmem:s26+$0x920]  }
0x3dd: {  	_ =	sdelay $0x3  }
0x3de: {  	v8 =	vmov v6;
	s0 =	smov.u32 s24;
	s24 =	smov.u32 s26;
	v6 =	vmov v7  }
.LBB2_108:
0x3df: {  	s1 =	simm.s32 $0x0;
	[tilespmem:s0+$0x3920] =	vst.add.f32.msk @p0 $0xffff, v8  }
0x3e0: {  	[tilespmem:s24+$0x3930] =	vst.add.f32.msk $0xffff, v5;
	s31 =	sand.u32 $0x400, s1  }
0x3e1: {  	[tilespmem:s24+$0x3900] =	vst.add.f32.msk $0xffff, v4;
	s0 =	sor.u32 s22, s31  }
0x3e2: {  	[tilespmem:s24+$0x3910] =	vst.add.f32.msk $0xffff, v3;
	p1 =	por $0x1, $0x1;
	s0 =	sor.u32 s1, s0  }
.Ltmp72:
0x3e3: {  	[tilespmem:s24+$0x3920] =	vst.add.f32.msk $0xffff, v6;
	s23 =	sor.u32 $0x1A0, s0;
	(pc) =	sbr.rel @!p1 .LBB2_109-.Ltmp72, $4  }
0x3e4: {  	s25 =	sor.u32 $0x1B0, s0;
	v6 =	vld [tilespmem:s23+$0x800]  }
0x3e5: {  	s24 =	sor.u32 $0x180, s0;
	v3 =	vld [tilespmem:s25+$0x800]  }
0x3e6: {  	s26 =	sor.u32 $0x190, s0;
	v4 =	vld [tilespmem:s24+$0x800]  }
0x3e7: {  	p0 =	por $0x0, $0x0;
	s1 =	simm.s32 $0x200;
	s0 =	simm.s32 $0x40;
	v5 =	vld [tilespmem:s26+$0x800]  }
0x3e8: {  	_ = 	snop  }
0x3e9: {  	s1 =	sand.u32 $0x400, s1  }
0x3ea: {  	s1 =	sor.u32 s22, s1;
	[tilespmem:s25+$0x3800] =	vst.add.f32.msk $0xffff, v3  }
0x3eb: {  	p1 =	por $0x1, $0x1;
	s0 =	sor.u32 s0, s1;
	[tilespmem:s24+$0x3800] =	vst.add.f32.msk $0xffff, v4  }
.Ltmp73:
0x3ec: {  	s25 =	sor.u32 $0x1B0, s0;
	[tilespmem:s26+$0x3800] =	vst.add.f32.msk $0xffff, v5;
	(pc) =	sbr.rel @!p1 .LBB2_111-.Ltmp73, $4  }
0x3ed: {  	s24 =	sor.u32 $0x180, s0;
	v3 =	vld [tilespmem:s25+$0x800]  }
0x3ee: {  	s9 =	sor.u32 $0x1A0, s0;
	v4 =	vld [tilespmem:s24+$0x800]  }
0x3ef: {  	s26 =	sor.u32 $0x190, s0;
	v7 =	vld [tilespmem:s9+$0x800]  }
0x3f0: {  	p0 =	por $0x1, $0x1;
	s1 =	simm.s32 $0x400;
	s0 =	simm.s32 $0x80;
	v5 =	vld [tilespmem:s26+$0x800]  }
.LBB2_112:
0x3f1: {  	s4 =	sand.u32 $0x400, s1  }
0x3f2: {  	p1 =	slt.u32 s0, $0xC0;
	[tilespmem:s23+$0x3800] =	vst.add.f32.msk $0xffff, v6;
	s23 =	smov.u32 s9;
	s4 =	sor.u32 s22, s4  }
0x3f3: {  	[tilespmem:s25+$0x3800] =	vst.add.f32.msk $0xffff, v3;
	s4 =	sor.u32 s0, s4  }
0x3f4: {  	[tilespmem:s24+$0x3800] =	vst.add.f32.msk $0xffff, v4;
	s24 =	sor.u32 $0x180, s4  }
.Ltmp74:
0x3f5: {  	s25 =	sor.u32 $0x1B0, s4;
	[tilespmem:s26+$0x3800] =	vst.add.f32.msk $0xffff, v5;
	s26 =	sor.u32 $0x190, s4;
	(pc) =	sbr.rel @p1 .LBB2_112-.Ltmp74, $4  }
0x3f6: {  	s9 =	sor.u32 $0x1A0, s4;
	v3 =	vld [tilespmem:s25+$0x800];
	v6 =	vmov v7  }
0x3f7: {  	v4 =	vld [tilespmem:s24+$0x800]  }
0x3f8: {  	v5 =	vld [tilespmem:s26+$0x800]  }
0x3f9: {  	s1 =	sadd.s32 $0x200, s1;
	s0 =	sadd.s32 $0x40, s0;
	v7 =	vld [tilespmem:s9+$0x800]  }
0x3fa: {  	_ =	sdelay $0x3  }
0x3fb: {  	v8 =	vmov v6;
	s0 =	smov.u32 s23;
	s23 =	smov.u32 s9;
	v6 =	vmov v7  }
.LBB2_114:
0x3fc: {  	[tilespmem:s0+$0x3800] =	vst.add.f32.msk @p0 $0xffff, v8;
	p0 =	slt.u32 s21, $0x14  }
.Ltmp75:
0x3fd: {  	_ = 	snop;
	(pc) =	sbr.rel @p0 .LBB2_94-.Ltmp75, $4  }
.Ltmp76:
0x3fe: {  	[tilespmem:s25+$0x3800] =	vst.add.f32.msk $0xffff, v3;
	(pc) =	sbr.rel @!p0 .LBB2_115-.Ltmp76, $4  }
0x3ff: {  	[tilespmem:s24+$0x3800] =	vst.add.f32.msk $0xffff, v4  }
0x400: {  	[tilespmem:s26+$0x3800] =	vst.add.f32.msk $0xffff, v5;
	s31 =	sadd.s32 $0x4, s21  }
0x401: {  	[tilespmem:s23+$0x3800] =	vst.add.f32.msk $0xffff, v6;
	s21 =	smov.u32 s31  }
0x402: {  	_ = 	snop  }
.LBB2_97:
.Ltmp77:
0x403: {  	(pc) =	sbr.rel .LBB2_102-.Ltmp77, $2  }
0x404: {  	_ =	sdelay $0x2  }
0x405: {  	p1 =	por $0x0, $0x0  }
.LBB2_103:
.Ltmp78:
0x406: {  	(pc) =	sbr.rel .LBB2_108-.Ltmp78, $2  }
0x407: {  	_ =	sdelay $0x2  }
0x408: {  	_ = 	snop  }
.LBB2_109:
.Ltmp79:
0x409: {  	(pc) =	sbr.rel .LBB2_114-.Ltmp79, $2  }
0x40a: {  	_ =	sdelay $0x2  }
0x40b: {  	_ = 	snop  }
.LBB2_99:
.Ltmp80:
0x40c: {  	(pc) =	sbr.rel .LBB2_102-.Ltmp80, $2  }
0x40d: {  	_ =	sdelay $0x2  }
0x40e: {  	v8 =	vmov v6;
	s0 =	smov.u32 s25;
	s25 =	smov.u32 s9;
	v6 =	vmov v7  }
.LBB2_105:
.Ltmp81:
0x40f: {  	_ = 	snop;
	(pc) =	sbr.rel .LBB2_108-.Ltmp81, $2  }
0x410: {  	_ =	sdelay $0x2  }
0x411: {  	v8 =	vmov v6;
	s0 =	smov.u32 s24;
	s24 =	smov.u32 s26;
	v6 =	vmov v7  }
.LBB2_111:
.Ltmp82:
0x412: {  	(pc) =	sbr.rel .LBB2_114-.Ltmp82, $2  }
0x413: {  	_ =	sdelay $0x2  }
0x414: {  	v8 =	vmov v6;
	s0 =	smov.u32 s23;
	s23 =	smov.u32 s9;
	v6 =	vmov v7  }
.LBB2_115:
0x415: {  	_ =	swait.ge [sflag:s18], $0x1800  }
0x416: {  	[sflag:s18] =	ssyncset.done $0x0  }
0x417: {  	s20 =	simm.s32 $0x0;
	s21 =	simm.s32 $0x0;
	[sflag:s18] =	ssyncadd.s32 $0xFFFFE800  }
.LBB2_116:
0x418: {  	s0 =	sshll.u32 s21, $0x8  }
0x419: {  	s1 =	sshll.u32 s21, $0x7;
	s0 =	sand.u32 $0x1800, s0  }
0x41a: {  	s22 =	simm.s32 $0x0;
	s24 =	sand.u32 $0x200, s1;
	s23 =	sor.u32 $0x2000, s0  }
0x41b: {  	s4 =	sand.u32 $0x400, s20;
	s1 =	sand.u32 $0x40, s22;
	s25 =	sor.u32 s24, s23  }
0x41c: {  	s6 =	sor.u32 $0x10, s1;
	s5 =	sadd.s32 s4, s25  }
0x41d: {  	s9 =	sor.u32 $0x20, s1;
	s8 =	sadd.s32 s6, s5  }
0x41e: {  	s10 =	sor.u32 $0x30, s1;
	s26 =	sadd.s32 s9, s5;
	v3 =	vld [tilespmem:s8+$0x0]  }
0x41f: {  	s22 =	sadd.s32 $0x3800, s0;
	s12 =	sadd.s32 s10, s5;
	v5 =	vld [tilespmem:s26+$0x0]  }
0x420: {  	s26 =	sor.u32 s24, s22;
	v6 =	vld [tilespmem:s12+$0x0]  }
0x421: {  	s8 =	sadd.s32 s1, s5;
	s4 =	sadd.s32 s4, s26  }
0x422: {  	s28 =	simm.s32 $0x40;
	s29 =	simm.s32 $0x200;
	v4 =	vld [tilespmem:s8+$0x0];
	s5 =	sadd.s32 s6, s4  }
0x423: {  	s8 =	sand.u32 $0x400, s29;
	s12 =	sadd.s32 s9, s4;
	s6 =	sand.u32 $0x40, s28;
	[tilespmem:s5+$0x0] =	vst.add.f32.msk $0xffff, v3  }
0x424: {  	s9 =	sadd.s32 s8, s25;
	s5 =	sadd.s32 s10, s4;
	s10 =	sor.u32 $0x10, s6;
	[tilespmem:s12+$0x0] =	vst.add.f32.msk $0xffff, v5  }
0x425: {  	s12 =	sor.u32 $0x20, s6;
	s0 =	sadd.s32 s10, s9;
	[tilespmem:s5+$0x0] =	vst.add.f32.msk $0xffff, v6  }
0x426: {  	s5 =	sor.u32 $0x30, s6;
	v6 =	vld [tilespmem:s0+$0x0];
	s0 =	sadd.s32 s12, s9  }
0x427: {  	s8 =	sadd.s32 s8, s26;
	v5 =	vld [tilespmem:s0+$0x0];
	s0 =	sadd.s32 s5, s9  }
0x428: {  	s30 =	sadd.s32 s1, s4;
	s1 =	sadd.s32 s6, s8;
	s4 =	sadd.s32 s6, s9;
	v7 =	vld [tilespmem:s0+$0x0]  }
0x429: {  	v3 =	vld [tilespmem:s4+$0x0];
	s31 =	sadd.s32 s5, s8;
	s9 =	sadd.s32 s10, s8;
	s0 =	sadd.s32 s12, s8  }
.LBB2_117:
0x42a: {  	s28 =	sadd.s32 $0x40, s28;
	s29 =	sadd.s32 $0x200, s29;
	[tilespmem:s30+$0x0] =	vst.add.f32.msk $0xffff, v4;
	s30 =	smov.u32 s1  }
0x42b: {  	s1 =	sand.u32 $0x40, s28;
	s4 =	sand.u32 $0x400, s29;
	p0 =	slt.u32 s28, $0xC0;
	[tilespmem:s9+$0x0] =	vst.add.f32.msk $0xffff, v6  }
0x42c: {  	s5 =	sadd.s32 s4, s25;
	s6 =	sor.u32 $0x10, s1;
	s8 =	sor.u32 $0x30, s1;
	[tilespmem:s0+$0x0] =	vst.add.f32.msk $0xffff, v5  }
.Ltmp83:
0x42d: {  	s10 =	sor.u32 $0x20, s1;
	s0 =	sadd.s32 s6, s5;
	[tilespmem:s31+$0x0] =	vst.add.f32.msk $0xffff, v7;
	(pc) =	sbr.rel @p0 .LBB2_117-.Ltmp83, $4  }
0x42e: {  	s4 =	sadd.s32 s4, s26;
	s12 =	sadd.s32 s1, s5;
	v6 =	vld [tilespmem:s0+$0x0];
	s0 =	sadd.s32 s10, s5;
	v4 =	vmov v3  }
0x42f: {  	s9 =	sadd.s32 s6, s4;
	s5 =	sadd.s32 s8, s5;
	v5 =	vld [tilespmem:s0+$0x0];
	s0 =	sadd.s32 s10, s4  }
0x430: {  	s1 =	sadd.s32 s1, s4;
	s31 =	sadd.s32 s8, s4;
	v7 =	vld [tilespmem:s5+$0x0]  }
0x431: {  	v3 =	vld [tilespmem:s12+$0x0]  }
0x432: {  	[tilespmem:s30+$0x0] =	vst.add.f32.msk $0xffff, v4;
	s4 =	sor.u32 $0x80, s24;
	s5 =	simm.s32 $0x0;
	s6 =	simm.s32 $0x0  }
0x433: {  	[tilespmem:s9+$0x0] =	vst.add.f32.msk $0xffff, v6;
	s25 =	sadd.s32 s4, s23;
	s6 =	sand.u32 $0x40, s6;
	s5 =	sand.u32 $0x400, s5  }
0x434: {  	[tilespmem:s0+$0x0] =	vst.add.f32.msk $0xffff, v5;
	s0 =	sadd.s32 s5, s25;
	s8 =	sor.u32 $0x10, s6  }
0x435: {  	s12 =	sor.u32 $0x30, s6;
	[tilespmem:s31+$0x0] =	vst.add.f32.msk $0xffff, v7;
	s26 =	sadd.s32 s8, s0  }
0x436: {  	s10 =	sor.u32 $0x20, s6;
	s9 =	sadd.s32 s12, s0;
	v5 =	vld [tilespmem:s26+$0x0]  }
0x437: {  	s26 =	sadd.s32 s10, s0;
	v7 =	vld [tilespmem:s9+$0x0]  }
0x438: {  	v6 =	vld [tilespmem:s26+$0x0];
	s26 =	sadd.s32 s4, s22  }
0x439: {  	[tilespmem:s1+$0x0] =	vst.add.f32.msk $0xffff, v3;
	s0 =	sadd.s32 s6, s0;
	s1 =	sadd.s32 s5, s26  }
0x43a: {  	s28 =	simm.s32 $0x40;
	s29 =	simm.s32 $0x200;
	v4 =	vld [tilespmem:s0+$0x0];
	s9 =	sadd.s32 s8, s1  }
0x43b: {  	s5 =	sand.u32 $0x40, s28;
	s8 =	sand.u32 $0x400, s29;
	s4 =	sadd.s32 s12, s1;
	[tilespmem:s9+$0x0] =	vst.add.f32.msk $0xffff, v5  }
0x43c: {  	s0 =	sadd.s32 s10, s1;
	s10 =	sor.u32 $0x10, s5;
	s9 =	sadd.s32 s8, s25;
	[tilespmem:s4+$0x0] =	vst.add.f32.msk $0xffff, v7  }
0x43d: {  	s12 =	sor.u32 $0x20, s5;
	[tilespmem:s0+$0x0] =	vst.add.f32.msk $0xffff, v6;
	s0 =	sadd.s32 s10, s9  }
0x43e: {  	s4 =	sor.u32 $0x30, s5;
	v6 =	vld [tilespmem:s0+$0x0];
	s0 =	sadd.s32 s12, s9  }
0x43f: {  	s8 =	sadd.s32 s8, s26;
	v5 =	vld [tilespmem:s0+$0x0];
	s0 =	sadd.s32 s4, s9  }
0x440: {  	s30 =	sadd.s32 s6, s1;
	s6 =	sadd.s32 s5, s9;
	s1 =	sadd.s32 s5, s8;
	v7 =	vld [tilespmem:s0+$0x0]  }
0x441: {  	s31 =	sadd.s32 s4, s8;
	v3 =	vld [tilespmem:s6+$0x0];
	s9 =	sadd.s32 s10, s8;
	s0 =	sadd.s32 s12, s8  }
.LBB2_119:
0x442: {  	s28 =	sadd.s32 $0x40, s28;
	s29 =	sadd.s32 $0x200, s29;
	[tilespmem:s30+$0x0] =	vst.add.f32.msk $0xffff, v4;
	s30 =	smov.u32 s1  }
0x443: {  	s1 =	sand.u32 $0x40, s28;
	s4 =	sand.u32 $0x400, s29;
	p0 =	slt.u32 s28, $0xC0;
	[tilespmem:s9+$0x0] =	vst.add.f32.msk $0xffff, v6  }
0x444: {  	s5 =	sadd.s32 s4, s25;
	s6 =	sor.u32 $0x10, s1;
	s8 =	sor.u32 $0x30, s1;
	[tilespmem:s0+$0x0] =	vst.add.f32.msk $0xffff, v5  }
.Ltmp84:
0x445: {  	s10 =	sor.u32 $0x20, s1;
	s0 =	sadd.s32 s6, s5;
	[tilespmem:s31+$0x0] =	vst.add.f32.msk $0xffff, v7;
	(pc) =	sbr.rel @p0 .LBB2_119-.Ltmp84, $4  }
0x446: {  	s4 =	sadd.s32 s4, s26;
	s12 =	sadd.s32 s1, s5;
	v6 =	vld [tilespmem:s0+$0x0];
	s0 =	sadd.s32 s10, s5;
	v4 =	vmov v3  }
0x447: {  	s9 =	sadd.s32 s6, s4;
	s5 =	sadd.s32 s8, s5;
	v5 =	vld [tilespmem:s0+$0x0];
	s0 =	sadd.s32 s10, s4  }
0x448: {  	s1 =	sadd.s32 s1, s4;
	s31 =	sadd.s32 s8, s4;
	v7 =	vld [tilespmem:s5+$0x0]  }
0x449: {  	v3 =	vld [tilespmem:s12+$0x0]  }
0x44a: {  	[tilespmem:s30+$0x0] =	vst.add.f32.msk $0xffff, v4;
	s4 =	sor.u32 $0x100, s24;
	s5 =	simm.s32 $0x0;
	s6 =	simm.s32 $0x0  }
0x44b: {  	[tilespmem:s9+$0x0] =	vst.add.f32.msk $0xffff, v6;
	s25 =	sadd.s32 s4, s23;
	s6 =	sand.u32 $0x40, s6;
	s5 =	sand.u32 $0x400, s5  }
0x44c: {  	[tilespmem:s0+$0x0] =	vst.add.f32.msk $0xffff, v5;
	s0 =	sadd.s32 s5, s25;
	s8 =	sor.u32 $0x10, s6  }
0x44d: {  	s12 =	sor.u32 $0x30, s6;
	[tilespmem:s31+$0x0] =	vst.add.f32.msk $0xffff, v7;
	s26 =	sadd.s32 s8, s0  }
0x44e: {  	s10 =	sor.u32 $0x20, s6;
	s9 =	sadd.s32 s12, s0;
	v5 =	vld [tilespmem:s26+$0x0]  }
0x44f: {  	s26 =	sadd.s32 s10, s0;
	v7 =	vld [tilespmem:s9+$0x0]  }
0x450: {  	v6 =	vld [tilespmem:s26+$0x0];
	s26 =	sadd.s32 s4, s22  }
0x451: {  	[tilespmem:s1+$0x0] =	vst.add.f32.msk $0xffff, v3;
	s0 =	sadd.s32 s6, s0;
	s1 =	sadd.s32 s5, s26  }
0x452: {  	s28 =	simm.s32 $0x40;
	s29 =	simm.s32 $0x200;
	v4 =	vld [tilespmem:s0+$0x0];
	s9 =	sadd.s32 s8, s1  }
0x453: {  	s5 =	sand.u32 $0x40, s28;
	s8 =	sand.u32 $0x400, s29;
	s4 =	sadd.s32 s12, s1;
	[tilespmem:s9+$0x0] =	vst.add.f32.msk $0xffff, v5  }
0x454: {  	s0 =	sadd.s32 s10, s1;
	s10 =	sor.u32 $0x10, s5;
	s9 =	sadd.s32 s8, s25;
	[tilespmem:s4+$0x0] =	vst.add.f32.msk $0xffff, v7  }
0x455: {  	s12 =	sor.u32 $0x20, s5;
	[tilespmem:s0+$0x0] =	vst.add.f32.msk $0xffff, v6;
	s0 =	sadd.s32 s10, s9  }
0x456: {  	s4 =	sor.u32 $0x30, s5;
	v6 =	vld [tilespmem:s0+$0x0];
	s0 =	sadd.s32 s12, s9  }
0x457: {  	s8 =	sadd.s32 s8, s26;
	v5 =	vld [tilespmem:s0+$0x0];
	s0 =	sadd.s32 s4, s9  }
0x458: {  	s30 =	sadd.s32 s6, s1;
	s6 =	sadd.s32 s5, s9;
	s1 =	sadd.s32 s5, s8;
	v7 =	vld [tilespmem:s0+$0x0]  }
0x459: {  	s31 =	sadd.s32 s4, s8;
	v3 =	vld [tilespmem:s6+$0x0];
	s9 =	sadd.s32 s10, s8;
	s0 =	sadd.s32 s12, s8  }
.LBB2_121:
0x45a: {  	s28 =	sadd.s32 $0x40, s28;
	s29 =	sadd.s32 $0x200, s29;
	[tilespmem:s30+$0x0] =	vst.add.f32.msk $0xffff, v4;
	s30 =	smov.u32 s1  }
0x45b: {  	s1 =	sand.u32 $0x40, s28;
	s4 =	sand.u32 $0x400, s29;
	p0 =	slt.u32 s28, $0xC0;
	[tilespmem:s9+$0x0] =	vst.add.f32.msk $0xffff, v6  }
0x45c: {  	s5 =	sadd.s32 s4, s25;
	s6 =	sor.u32 $0x10, s1;
	s8 =	sor.u32 $0x30, s1;
	[tilespmem:s0+$0x0] =	vst.add.f32.msk $0xffff, v5  }
.Ltmp85:
0x45d: {  	s10 =	sor.u32 $0x20, s1;
	s0 =	sadd.s32 s6, s5;
	[tilespmem:s31+$0x0] =	vst.add.f32.msk $0xffff, v7;
	(pc) =	sbr.rel @p0 .LBB2_121-.Ltmp85, $4  }
0x45e: {  	s4 =	sadd.s32 s4, s26;
	s12 =	sadd.s32 s1, s5;
	v6 =	vld [tilespmem:s0+$0x0];
	s0 =	sadd.s32 s10, s5;
	v4 =	vmov v3  }
0x45f: {  	s9 =	sadd.s32 s6, s4;
	s5 =	sadd.s32 s8, s5;
	v5 =	vld [tilespmem:s0+$0x0];
	s0 =	sadd.s32 s10, s4  }
0x460: {  	s1 =	sadd.s32 s1, s4;
	s31 =	sadd.s32 s8, s4;
	v7 =	vld [tilespmem:s5+$0x0]  }
0x461: {  	v3 =	vld [tilespmem:s12+$0x0]  }
0x462: {  	[tilespmem:s30+$0x0] =	vst.add.f32.msk $0xffff, v4;
	s4 =	sor.u32 $0x180, s24;
	s5 =	simm.s32 $0x0;
	s6 =	simm.s32 $0x0  }
0x463: {  	[tilespmem:s9+$0x0] =	vst.add.f32.msk $0xffff, v6;
	s23 =	sadd.s32 s4, s23;
	s6 =	sand.u32 $0x40, s6;
	s5 =	sand.u32 $0x400, s5  }
0x464: {  	[tilespmem:s0+$0x0] =	vst.add.f32.msk $0xffff, v5;
	s25 =	sadd.s32 s5, s23;
	s8 =	sor.u32 $0x10, s6  }
0x465: {  	s10 =	sor.u32 $0x20, s6;
	[tilespmem:s31+$0x0] =	vst.add.f32.msk $0xffff, v7;
	s26 =	sadd.s32 s8, s25  }
0x466: {  	s12 =	sor.u32 $0x30, s6;
	s29 =	sadd.s32 s10, s25;
	v4 =	vld [tilespmem:s26+$0x0]  }
0x467: {  	s30 =	sadd.s32 s12, s25;
	v5 =	vld [tilespmem:s29+$0x0]  }
0x468: {  	s22 =	sadd.s32 s4, s22;
	v6 =	vld [tilespmem:s30+$0x0]  }
0x469: {  	s0 =	sadd.s32 s6, s25;
	[tilespmem:s1+$0x0] =	vst.add.f32.msk $0xffff, v3;
	s1 =	sadd.s32 s5, s22  }
0x46a: {  	s24 =	simm.s32 $0x40;
	s25 =	simm.s32 $0x200;
	v3 =	vld [tilespmem:s0+$0x0];
	s31 =	sadd.s32 s8, s1  }
0x46b: {  	s5 =	sand.u32 $0x40, s24;
	s9 =	sand.u32 $0x400, s25;
	s8 =	sadd.s32 s10, s1;
	[tilespmem:s31+$0x0] =	vst.add.f32.msk $0xffff, v4  }
0x46c: {  	s30 =	sadd.s32 s12, s1;
	s10 =	sor.u32 $0x10, s5;
	s31 =	sadd.s32 s9, s23;
	[tilespmem:s8+$0x0] =	vst.add.f32.msk $0xffff, v5  }
0x46d: {  	s12 =	sor.u32 $0x20, s5;
	[tilespmem:s30+$0x0] =	vst.add.f32.msk $0xffff, v6;
	s26 =	sadd.s32 s10, s31  }
0x46e: {  	s4 =	sor.u32 $0x30, s5;
	s29 =	sadd.s32 s12, s31;
	v4 =	vld [tilespmem:s26+$0x0]  }
0x46f: {  	s8 =	sadd.s32 s9, s22;
	s30 =	sadd.s32 s4, s31;
	v5 =	vld [tilespmem:s29+$0x0]  }
0x470: {  	s31 =	sadd.s32 s5, s31;
	s0 =	sadd.s32 s12, s8;
	s28 =	sadd.s32 s5, s8;
	v7 =	vld [tilespmem:s30+$0x0]  }
0x471: {  	s9 =	sadd.s32 s4, s8;
	s26 =	sadd.s32 s6, s1;
	s1 =	sadd.s32 s10, s8;
	v6 =	vld [tilespmem:s31+$0x0]  }
.LBB2_123:
0x472: {  	s24 =	sadd.s32 $0x40, s24;
	s25 =	sadd.s32 $0x200, s25;
	[tilespmem:s26+$0x0] =	vst.add.f32.msk $0xffff, v3;
	s26 =	smov.u32 s28  }
0x473: {  	s4 =	sand.u32 $0x40, s24;
	s5 =	sand.u32 $0x400, s25;
	p0 =	slt.u32 s24, $0xC0;
	[tilespmem:s1+$0x0] =	vst.add.f32.msk $0xffff, v4  }
0x474: {  	s6 =	sadd.s32 s5, s23;
	s1 =	sor.u32 $0x10, s4;
	s8 =	sor.u32 $0x30, s4;
	[tilespmem:s0+$0x0] =	vst.add.f32.msk $0xffff, v5  }
.Ltmp86:
0x475: {  	s10 =	sor.u32 $0x20, s4;
	s0 =	sadd.s32 s1, s6;
	[tilespmem:s9+$0x0] =	vst.add.f32.msk $0xffff, v7;
	(pc) =	sbr.rel @p0 .LBB2_123-.Ltmp86, $4  }
0x476: {  	s5 =	sadd.s32 s5, s22;
	s12 =	sadd.s32 s4, s6;
	v4 =	vld [tilespmem:s0+$0x0];
	s0 =	sadd.s32 s10, s6;
	v3 =	vmov v6  }
0x477: {  	s1 =	sadd.s32 s1, s5;
	s6 =	sadd.s32 s8, s6;
	v5 =	vld [tilespmem:s0+$0x0];
	s0 =	sadd.s32 s10, s5  }
0x478: {  	s28 =	sadd.s32 s4, s5;
	s9 =	sadd.s32 s8, s5;
	v7 =	vld [tilespmem:s6+$0x0]  }
0x479: {  	v6 =	vld [tilespmem:s12+$0x0]  }
0x47a: {  	p0 =	slt.u32 s21, $0x14  }
.Ltmp87:
0x47b: {  	[tilespmem:s26+$0x0] =	vst.add.f32.msk $0xffff, v3;
	(pc) =	sbr.rel @p0 .LBB2_116-.Ltmp87, $4  }
0x47c: {  	[tilespmem:s1+$0x0] =	vst.add.f32.msk $0xffff, v4  }
0x47d: {  	[tilespmem:s0+$0x0] =	vst.add.f32.msk $0xffff, v5  }
0x47e: {  	s31 =	sadd.s32 $0x4, s21;
	[tilespmem:s9+$0x0] =	vst.add.f32.msk $0xffff, v7  }
0x47f: {  	s21 =	smov.u32 s31;
	[tilespmem:s28+$0x0] =	vst.add.f32.msk $0xffff, v6  }
0x480: {  	s0 =	rddreg [dreg:$0x3];
	s1 =	simm.s32 $0x3800  }
0x481: {  	[hbm4b:s0+s2] =	stream.linear.scatter [tilespmem:s1], [sflag:$0x3], $0x1800, $0x38;
	[tilespmem:$0x5000] =	vst v63  }
0x482: {  	_ =	swait.ge [sflag:s7], $0x1800  }
0x483: {  	s19 =	sadd.s32 $0x1, s19;
	s31 =	rddreg [dreg:$0x4]  }
0x484: {  	p0 =	sne.s32 s19, s31  }
.Ltmp88:
0x485: {  	_ = 	snop;
	(pc) =	sbr.rel @p0 .LBB2_1-.Ltmp88, $3  }
0x486: {  	_ =	sdelay $0x1  }
0x487: {  	[sflag:s7] =	ssyncset.done $0x0  }
0x488: {  	[sflag:s7] =	ssyncadd.s32 $0xFFFFE800  }
0x489: {  	_ =	sfence.sel $0x180000  }
0x48a: {  	[bflag:$0x0] =	sbarrier.arrive $0xFFFF  }
0x48b: {  	_ =	strace $0x90000047  }
0x48c: {  	s0 =	stileid.u32;
	[bflag:$0x2] =	sbarrier.arrive $0xFFFF  }
0x48d: {  	p0 =	sne.s32 s0, $0x0;
	s0 =	rddreg [dreg:$0x1]  }
0x48e: {  	s0 =	sadd.s32 @!p0 $0x100000, s0  }
0x48f: {  	[sflag:s0] =	ssyncadd.tile.s32 @!p0 $0x1;
	_ =	shalt  }
.Lfunc_end2:
_tile_overlayer_lowered:
.L_overlay_start_2:
0x490: {  	(tag) =	ssettag $0x2  }
0x491: {  	s0 =	rddreg [dreg:$0x0];
	s2 =	stileid.u32  }
0x492: {  	s1 =	rddreg [dreg:$0x1];
	p0 =	sne.s32 s2, $0x0  }
0x493: {  	s3 =	rddreg [dreg:$0x2];
	[bflag:$0x3] =	sbarrier.arrive $0xFFFF;
	s2 =	simm.s32 @!p0 $0x1C03  }
0x494: {  	[timem:s3], [sflag:s2] =	dma.local @!p0 [hbm:s0], s1  }
0x495: {  	s0 =	simm.s32 @!p0 $0x3  }
0x496: {  	_ =	swait.ge @!p0 [sflag:s0], s1  }
0x497: {  	s1 =	ssub.s32 @!p0 $0x0, s1;
	[sflag:s0] =	ssyncset.done @!p0 $0x0  }
0x498: {  	[sflag:s0] =	ssyncadd.s32 @!p0 s1  }
0x499: {  	[bflag:$0x3] =	sbarrier.arrive $0xFFFF  }
0x49a: {  	_ =	shalt  }

</sc_bundles>
